<compile_context>
chip_gen: v7x
topology: tpu7x:2x2x1
jax: 0.10.2.dev20260603
libtpu: 0.0.44.dev20260713+nightly
codegen_flags: <defaults>
</compile_context>

<pallas_src>
import functools

import jax
import jax.numpy as jnp
from jax import lax
from jax.experimental import pallas as pl
from jax.experimental.pallas import tpu as pltpu
from jax.experimental.pallas import tpu_sc as plsc

K = 8192
E = 32
T = 4096
BT = 512
NT = T // BT
CC = 0.25


def _vq_body(z_ref, et_ref, idx_ref):
    i = pl.program_id(0)
    z = z_ref[...]
    et = et_ref[...]
    mm = lax.dot_general(z * -2.0, et, (((1,), (0,)), ((), ())),
                         preferred_element_type=jnp.float32)
    z2 = jnp.sum(z * z, axis=1, keepdims=True)
    e2 = jnp.sum(et * et, axis=0)
    scores = z2 + e2[None, :] + mm
    idx = jnp.argmin(scores, axis=1).astype(jnp.int32)
    idx_ref[pl.ds(i * BT, BT)] = idx


_vq_call = pl.pallas_call(
    _vq_body,
    grid=(NT,),
    in_specs=[
        pl.BlockSpec((BT, E), lambda i: (i, 0)),
        pl.BlockSpec((E, K), lambda i: (0, 0)),
    ],
    out_specs=[pl.BlockSpec((T,), lambda i: (0,))],
    out_shape=[jax.ShapeDtypeStruct((T,), jnp.int32)],
)


_NC, _NS = 2, 16
_TPS = T // _NS
KPT = K // _NS

_LOG2_POLY = (0.04342868488885992, -0.4048646480119264, 1.5938912717255367,
              -3.4924755918040757, 5.04685963461102, -2.7868074212476523)
_LN2 = 0.6931471805599453


@functools.cache
def _sc_call():
    mesh = plsc.VectorSubcoreMesh(
        core_axis_name="c", subcore_axis_name="s", num_cores=_NC)

    @functools.partial(
        pl.kernel,
        mesh=mesh,
        compiler_params=pltpu.CompilerParams(
            use_tc_tiling_on_sc=False, needs_layout_passes=False),
        out_type=(
            jax.ShapeDtypeStruct((T, E), jnp.float32),
            jax.ShapeDtypeStruct((16,), jnp.float32),
            jax.ShapeDtypeStruct((16,), jnp.float32),
        ),
        scratch_types=[
            pltpu.VMEM((_TPS,), jnp.int32),
            pltpu.VMEM((_TPS, E), jnp.float32),
            pltpu.VMEM((_TPS, E), jnp.float32),
            pltpu.VMEM((T,), jnp.int32),
            pltpu.VMEM((KPT,), jnp.float32),
            pltpu.VMEM((16,), jnp.float32),
            pltpu.VMEM((16, 16), jnp.float32),
            pltpu.VMEM_SHARED((16, 16), jnp.float32),
            pltpu.SemaphoreType.DMA,
        ],
    )
    def _sc_body(emb_hbm, idx_hbm, z_hbm, zq_hbm, loss_hbm, ppl_hbm,
                 idx_v, rows_v, zin_v, idxall_v, cnt_v, stage_v, part_v,
                 shared, sem):
        c = lax.axis_index("c")
        s = lax.axis_index("s")

        @pl.when(c == 1)
        def _():
            base = s * _TPS
            pltpu.sync_copy(idx_hbm.at[pl.ds(base, _TPS)], idx_v)
            pltpu.async_copy(emb_hbm.at[idx_v], rows_v, sem).wait()
            pltpu.sync_copy(rows_v, zq_hbm.at[pl.ds(base, _TPS)])
            pltpu.sync_copy(z_hbm.at[pl.ds(base, _TPS)], zin_v)

            def lbody(j, acc):
                d0 = rows_v[j, pl.ds(0, 16)] - zin_v[j, pl.ds(0, 16)]
                d1 = rows_v[j, pl.ds(16, 16)] - zin_v[j, pl.ds(16, 16)]
                return acc + d0 * d0 + d1 * d1

            acc = lax.fori_loop(0, _TPS, lbody, jnp.zeros((16,), jnp.float32))
            stage_v[...] = acc
            pltpu.sync_copy(stage_v, shared.at[s])
            plsc.subcore_barrier()

            @pl.when(s == 0)
            def _():
                pltpu.sync_copy(shared, part_v)
                tot = jnp.zeros((16,), jnp.float32)
                for r in range(16):
                    tot = tot + part_v[r, :]
                ssum = jnp.sum(tot)
                lv = jnp.zeros((16,), jnp.float32) + ssum * (CC / (T * E))
                stage_v[...] = lv
                pltpu.sync_copy(stage_v, loss_hbm)

        @pl.when(c == 0)
        def _():
            pltpu.sync_copy(idx_hbm, idxall_v)
            lo = s * KPT
            zeros = jnp.zeros((16,), jnp.float32)
            ones = jnp.full((16,), 1.0, jnp.float32)

            def zbody(j, carry):
                cnt_v[pl.ds(j * 16, 16)] = zeros
                return carry

            lax.fori_loop(0, KPT // 16, zbody, 0)

            def hbody(j, carry):
                iv = idxall_v[pl.ds(j * 16, 16)]
                m = (iv >= lo) & (iv < lo + KPT)
                plsc.addupdate_scatter(cnt_v, [iv - lo], ones, mask=m)
                return carry

            lax.fori_loop(0, T // 16, hbody, 0)

            def ebody(j, acc):
                cv = cnt_v[pl.ds(j * 16, 16)]
                p = cv * (1.0 / T)
                t = p + 1e-10
                bits = plsc.bitcast(t, jnp.int32)
                ex = (bits >> 23) - 127
                mant = plsc.bitcast(
                    (bits & 0x007FFFFF) | 0x3F800000, jnp.float32)
                pol = jnp.full((16,), _LOG2_POLY[0], jnp.float32)
                for coef in _LOG2_POLY[1:]:
                    pol = pol * mant + jnp.float32(coef)
                lnt = jnp.float32(_LN2) * (ex.astype(jnp.float32) + pol)
                return acc + p * lnt

            acc = lax.fori_loop(0, KPT // 16, ebody,
                                jnp.zeros((16,), jnp.float32))
            stage_v[...] = acc
            pltpu.sync_copy(stage_v, shared.at[s])
            plsc.subcore_barrier()

            @pl.when(s == 0)
            def _():
                pltpu.sync_copy(shared, part_v)
                tot = jnp.zeros((16,), jnp.float32)
                for r in range(16):
                    tot = tot + part_v[r, :]
                ssum = jnp.sum(tot)
                pv = jnp.exp(jnp.zeros((16,), jnp.float32) - ssum)
                stage_v[...] = pv
                pltpu.sync_copy(stage_v, ppl_hbm)

    return _sc_body


def kernel(z, embedding):
    (idx,) = _vq_call(z, embedding.T)
    z_q, loss, ppl = _sc_call()(embedding, idx, z)
    return (z_q, loss[0], idx, ppl[0])

# --- scband reference (transcript-rebuilt; emitter-appended) ---
"""Pipeline reference for scband-vqvae-3977139716918 (READ-ONLY COPY).

The authoritative reference and input builder live on the scoring server;
editing this copy changes nothing except your own understanding.
"""

import jax, jax.numpy as jnp
import numpy as np

NUM_EMBEDDINGS = 8192
EMBEDDING_DIM = 32
COMMITMENT_COST = 0.25
TOKENS = 4096

def setup_inputs(seed: int = 0) -> dict:
    key = jax.random.key(seed)
    k1, k2 = jax.random.split(key)
    z = jax.random.normal(k1, (TOKENS, EMBEDDING_DIM), dtype=jnp.float32)
    embedding = jax.random.normal(k2, (NUM_EMBEDDINGS, EMBEDDING_DIM), dtype=jnp.float32)
    return {"z": z, "embedding": embedding}

def reference(z, embedding):
    # VectorQuantizerEMA.forward in eval mode (no EMA buffer updates, no k-means init)
    flat_z = z.reshape(-1, EMBEDDING_DIM)
    distances = (jnp.sum(flat_z ** 2, axis=1, keepdims=True)
                 + jnp.sum(embedding ** 2, axis=1)
                 - 2.0 * jnp.matmul(flat_z, embedding.T))
    indices = jnp.argmin(distances, axis=1)
    encodings = jax.nn.one_hot(indices, NUM_EMBEDDINGS, dtype=jnp.float32)
    z_q = jnp.take(embedding, indices, axis=0).reshape(z.shape)
    commitment_loss = jnp.mean((jax.lax.stop_gradient(z_q) - z) ** 2)
    z_q_st = z + jax.lax.stop_gradient(z_q - z)
    avg_probs = jnp.mean(encodings, axis=0)
    perplexity = jnp.exp(-jnp.sum(avg_probs * jnp.log(avg_probs + 1e-10)))
    return (z_q_st, COMMITMENT_COST * commitment_loss, indices.reshape(z.shape[0]), perplexity)

if __name__ == "__main__":
    import jax
    _d = setup_inputs()
    print(jax.jit(kernel)(*tuple(_d.values())))

</pallas_src>

<mosaic_0001>
#map = affine_map<(d0, d1) -> (0, 0)>
#map1 = affine_map<(d0, d1) -> (0)>
module attributes {stable_mosaic.version = 14 : i64} {
  func.func @_sc_body(%arg0: i32, %arg1: i32, %arg2: memref<8192x32xf32, #tpu.memory_space<hbm>>, %arg3: memref<4096xi32, #tpu.memory_space<hbm>>, %arg4: memref<4096x32xf32, #tpu.memory_space<hbm>>, %arg5: memref<4096x32xf32, #tpu.memory_space<hbm>>, %arg6: memref<16xf32, #tpu.memory_space<hbm>>, %arg7: memref<16xf32, #tpu.memory_space<hbm>>, %arg8: memref<256xi32, #tpu.memory_space<vmem>>, %arg9: memref<256x32xf32, #tpu.memory_space<vmem>>, %arg10: memref<256x32xf32, #tpu.memory_space<vmem>>, %arg11: memref<4096xi32, #tpu.memory_space<vmem>>, %arg12: memref<512xf32, #tpu.memory_space<vmem>>, %arg13: memref<16xf32, #tpu.memory_space<vmem>>, %arg14: memref<16x16xf32, #tpu.memory_space<vmem>>, %arg15: memref<16x16xf32, #tpu.memory_space<vmem_shared>>, %arg16: memref<!tpu.dma_semaphore, #tpu.memory_space<semaphore_mem>>) attributes {dimension_semantics = [#tpu.dimension_semantics<core_parallel>, #tpu.dimension_semantics<subcore_parallel>], iteration_bounds = array<i64: 2, 16>, scalar_prefetch = 0 : i64, scratch_operands = 9 : i64, tpu.core_type = #tpu.core_type<sc_vector_subcore>, window_params = [{transform_indices = #map}, {transform_indices = #map1}, {transform_indices = #map}, {transform_indices = #map}, {transform_indices = #map1}, {transform_indices = #map1}]} {
    %eq3A = arith.constant 1 : i32
    %eq3A_0 = arith.cmpi eq, %arg0, %eq3A : i32
    %convert_element_type3A = arith.extui %eq3A_0 : i1 to i32
    %cond3A = arith.constant 0 : i32
    %cond3A_1 = arith.cmpi ne, %convert_element_type3A, %cond3A : i32
    scf.if %cond3A_1 {
      %mul3A = arith.constant 256 : i32
      %mul3A_7 = arith.muli %arg1, %mul3A : i32
      "tpu.region"() ({
        %run_scoped3A = tpu.sem_alloc : memref<!tpu.dma_semaphore, #tpu.memory_space<semaphore_mem>>
        %dma_start3A_24 = tpu.memref_slice %arg3[%mul3A_7] : memref<4096xi32, #tpu.memory_space<hbm>> -> memref<256xi32, #tpu.memory_space<hbm>>
        %dma_start3A_25 = tpu.memref_slice %arg3[%mul3A_7] : memref<4096xi32, #tpu.memory_space<hbm>> -> memref<256xi32, #tpu.memory_space<hbm>>
        tpu.enqueue_dma source(%dma_start3A_25 : memref<256xi32, #tpu.memory_space<hbm>>) target(%arg8 : memref<256xi32, #tpu.memory_space<vmem>>) target_semaphore(%run_scoped3A : memref<!tpu.dma_semaphore, #tpu.memory_space<semaphore_mem>>)
        %dma_wait3A_26 = tpu.memref_slice %arg3[%mul3A_7] : memref<4096xi32, #tpu.memory_space<hbm>> -> memref<256xi32, #tpu.memory_space<hbm>>
        %dma_wait3A_27 = tpu.memref_slice %arg3[%mul3A_7] : memref<4096xi32, #tpu.memory_space<hbm>> -> memref<256xi32, #tpu.memory_space<hbm>>
        tpu.wait_dma2 semaphore(%run_scoped3A : memref<!tpu.dma_semaphore, #tpu.memory_space<semaphore_mem>>) src(%dma_wait3A_27 : memref<256xi32, #tpu.memory_space<hbm>>) dst(%arg8 : memref<256xi32, #tpu.memory_space<vmem>>)
        tpu.yield
      }) : () -> ()
      %dma_start3A = arith.constant 0 : i32
      %dma_start3A_8 = arith.constant 0 : i32
      %dma_start3A_9 = tpu.memref_slice %arg2[%dma_start3A, %dma_start3A_8] : memref<8192x32xf32, #tpu.memory_space<hbm>> -> memref<8192x32xf32, #tpu.memory_space<hbm>>
      tpu.enqueue_indirect_dma source(%dma_start3A_9 : memref<8192x32xf32, #tpu.memory_space<hbm>>) target(%arg9 : memref<256x32xf32, #tpu.memory_space<vmem>>) offsets(%arg8 : memref<256xi32, #tpu.memory_space<vmem>>) semaphore(%arg16 : memref<!tpu.dma_semaphore, #tpu.memory_space<semaphore_mem>>)
      %dma_wait3A = arith.constant 0 : i32
      %dma_wait3A_10 = arith.constant 0 : i32
      %dma_wait3A_11 = tpu.memref_slice %arg2[%dma_wait3A, %dma_wait3A_10] : memref<8192x32xf32, #tpu.memory_space<hbm>> -> memref<8192x32xf32, #tpu.memory_space<hbm>>
      tpu.wait_indirect_dma semaphore(%arg16 : memref<!tpu.dma_semaphore, #tpu.memory_space<semaphore_mem>>) src(%dma_wait3A_11 : memref<8192x32xf32, #tpu.memory_space<hbm>>) dst(%arg9 : memref<256x32xf32, #tpu.memory_space<vmem>>)
      "tpu.region"() ({
        %run_scoped3A = tpu.sem_alloc : memref<!tpu.dma_semaphore, #tpu.memory_space<semaphore_mem>>
        %dma_start3A_24 = arith.constant 0 : i32
        %dma_start3A_25 = tpu.memref_slice %arg5[%mul3A_7, %dma_start3A_24] : memref<4096x32xf32, #tpu.memory_space<hbm>> -> memref<256x32xf32, #tpu.memory_space<hbm>>
        %dma_start3A_26 = arith.constant 0 : i32
        %dma_start3A_27 = tpu.memref_slice %arg5[%mul3A_7, %dma_start3A_26] : memref<4096x32xf32, #tpu.memory_space<hbm>> -> memref<256x32xf32, #tpu.memory_space<hbm>>
        tpu.enqueue_dma source(%arg9 : memref<256x32xf32, #tpu.memory_space<vmem>>) target(%dma_start3A_27 : memref<256x32xf32, #tpu.memory_space<hbm>>) target_semaphore(%run_scoped3A : memref<!tpu.dma_semaphore, #tpu.memory_space<semaphore_mem>>)
        %dma_wait3A_28 = arith.constant 0 : i32
        %dma_wait3A_29 = tpu.memref_slice %arg5[%mul3A_7, %dma_wait3A_28] : memref<4096x32xf32, #tpu.memory_space<hbm>> -> memref<256x32xf32, #tpu.memory_space<hbm>>
        %dma_wait3A_30 = arith.constant 0 : i32
        %dma_wait3A_31 = tpu.memref_slice %arg5[%mul3A_7, %dma_wait3A_30] : memref<4096x32xf32, #tpu.memory_space<hbm>> -> memref<256x32xf32, #tpu.memory_space<hbm>>
        tpu.wait_dma2 semaphore(%run_scoped3A : memref<!tpu.dma_semaphore, #tpu.memory_space<semaphore_mem>>) src(%arg9 : memref<256x32xf32, #tpu.memory_space<vmem>>) dst(%dma_wait3A_31 : memref<256x32xf32, #tpu.memory_space<hbm>>)
        tpu.yield
      }) : () -> ()
      "tpu.region"() ({
        %run_scoped3A = tpu.sem_alloc : memref<!tpu.dma_semaphore, #tpu.memory_space<semaphore_mem>>
        %dma_start3A_24 = arith.constant 0 : i32
        %dma_start3A_25 = tpu.memref_slice %arg4[%mul3A_7, %dma_start3A_24] : memref<4096x32xf32, #tpu.memory_space<hbm>> -> memref<256x32xf32, #tpu.memory_space<hbm>>
        %dma_start3A_26 = arith.constant 0 : i32
        %dma_start3A_27 = tpu.memref_slice %arg4[%mul3A_7, %dma_start3A_26] : memref<4096x32xf32, #tpu.memory_space<hbm>> -> memref<256x32xf32, #tpu.memory_space<hbm>>
        tpu.enqueue_dma source(%dma_start3A_27 : memref<256x32xf32, #tpu.memory_space<hbm>>) target(%arg10 : memref<256x32xf32, #tpu.memory_space<vmem>>) target_semaphore(%run_scoped3A : memref<!tpu.dma_semaphore, #tpu.memory_space<semaphore_mem>>)
        %dma_wait3A_28 = arith.constant 0 : i32
        %dma_wait3A_29 = tpu.memref_slice %arg4[%mul3A_7, %dma_wait3A_28] : memref<4096x32xf32, #tpu.memory_space<hbm>> -> memref<256x32xf32, #tpu.memory_space<hbm>>
        %dma_wait3A_30 = arith.constant 0 : i32
        %dma_wait3A_31 = tpu.memref_slice %arg4[%mul3A_7, %dma_wait3A_30] : memref<4096x32xf32, #tpu.memory_space<hbm>> -> memref<256x32xf32, #tpu.memory_space<hbm>>
        tpu.wait_dma2 semaphore(%run_scoped3A : memref<!tpu.dma_semaphore, #tpu.memory_space<semaphore_mem>>) src(%dma_wait3A_31 : memref<256x32xf32, #tpu.memory_space<hbm>>) dst(%arg10 : memref<256x32xf32, #tpu.memory_space<vmem>>)
        tpu.yield
      }) : () -> ()
      %broadcast_in_dim3A = arith.constant 0.000000e+00 : f32
      %broadcast_in_dim3A_12 = vector.broadcast %broadcast_in_dim3A : f32 to vector<16xf32>
      %scan3A = arith.constant 0 : i32
      %scan3A_13 = arith.constant 256 : i32
      %scan3A_14 = arith.addi %scan3A, %scan3A_13 : i32
      %scan3A_15 = arith.constant 1 : i32
      %scan3A_16 = scf.for %scan3A_24 = %scan3A to %scan3A_14 step %scan3A_15 iter_args(%scan3A_25 = %broadcast_in_dim3A_12) -> (vector<16xf32>)  : i32 {
        %get3A = arith.index_cast %scan3A_24 : i32 to index
        %get3A_26 = arith.constant 0 : index
        %get3A_27 = tpu.vector_load %arg9[%get3A, %get3A_26] {strides = array<i32>} : memref<256x32xf32, #tpu.memory_space<vmem>>, vector<16xf32>,
        %get3A_28 = arith.index_cast %scan3A_24 : i32 to index
        %get3A_29 = arith.constant 0 : index
        %get3A_30 = tpu.vector_load %arg10[%get3A_28, %get3A_29] {strides = array<i32>} : memref<256x32xf32, #tpu.memory_space<vmem>>, vector<16xf32>,
        %sub3A = arith.subf %get3A_27, %get3A_30 : vector<16xf32>
        %get3A_31 = arith.index_cast %scan3A_24 : i32 to index
        %get3A_32 = arith.constant 16 : index
        %get3A_33 = tpu.vector_load %arg9[%get3A_31, %get3A_32] {strides = array<i32>} : memref<256x32xf32, #tpu.memory_space<vmem>>, vector<16xf32>,
        %get3A_34 = arith.index_cast %scan3A_24 : i32 to index
        %get3A_35 = arith.constant 16 : index
        %get3A_36 = tpu.vector_load %arg10[%get3A_34, %get3A_35] {strides = array<i32>} : memref<256x32xf32, #tpu.memory_space<vmem>>, vector<16xf32>,
        %sub3A_37 = arith.subf %get3A_33, %get3A_36 : vector<16xf32>
        %mul3A_38 = arith.mulf %sub3A, %sub3A : vector<16xf32>
        %add3A = arith.addf %scan3A_25, %mul3A_38 : vector<16xf32>
        %mul3A_39 = arith.mulf %sub3A_37, %sub3A_37 : vector<16xf32>
        %add3A_40 = arith.addf %add3A, %mul3A_39 : vector<16xf32>
        scf.yield %add3A_40 : vector<16xf32>
      }
      %scan3A_17 = arith.constant 256 : i32
      %swap3A = arith.constant 0 : index
      %swap3A_18 = tpu.vector_load %arg13[%swap3A] {strides = array<i32>} : memref<16xf32, #tpu.memory_space<vmem>>, vector<16xf32>,
      tpu.vector_store %arg13[%swap3A], %scan3A_16 {strides = array<i32>} : memref<16xf32, #tpu.memory_space<vmem>>, vector<16xf32>,
      "tpu.region"() ({
        %run_scoped3A = tpu.sem_alloc : memref<!tpu.dma_semaphore, #tpu.memory_space<semaphore_mem>>
        %dma_start3A_24 = arith.constant 0 : i32
        %dma_start3A_25 = tpu.memref_slice %arg15[%arg1, %dma_start3A_24] : memref<16x16xf32, #tpu.memory_space<vmem_shared>> -> memref<1x16xf32, #tpu.memory_space<vmem_shared>>
        %dma_start3A_26 = tpu.memref_squeeze %dma_start3A_25 : memref<1x16xf32, #tpu.memory_space<vmem_shared>> -> memref<16xf32, #tpu.memory_space<vmem_shared>>
        %dma_start3A_27 = arith.constant 0 : i32
        %dma_start3A_28 = tpu.memref_slice %arg15[%arg1, %dma_start3A_27] : memref<16x16xf32, #tpu.memory_space<vmem_shared>> -> memref<1x16xf32, #tpu.memory_space<vmem_shared>>
        %dma_start3A_29 = tpu.memref_squeeze %dma_start3A_28 : memref<1x16xf32, #tpu.memory_space<vmem_shared>> -> memref<16xf32, #tpu.memory_space<vmem_shared>>
        tpu.enqueue_dma source(%arg13 : memref<16xf32, #tpu.memory_space<vmem>>) target(%dma_start3A_29 : memref<16xf32, #tpu.memory_space<vmem_shared>>) target_semaphore(%run_scoped3A : memref<!tpu.dma_semaphore, #tpu.memory_space<semaphore_mem>>)
        %dma_wait3A_30 = arith.constant 0 : i32
        %dma_wait3A_31 = tpu.memref_slice %arg15[%arg1, %dma_wait3A_30] : memref<16x16xf32, #tpu.memory_space<vmem_shared>> -> memref<1x16xf32, #tpu.memory_space<vmem_shared>>
        %dma_wait3A_32 = tpu.memref_squeeze %dma_wait3A_31 : memref<1x16xf32, #tpu.memory_space<vmem_shared>> -> memref<16xf32, #tpu.memory_space<vmem_shared>>
        %dma_wait3A_33 = arith.constant 0 : i32
        %dma_wait3A_34 = tpu.memref_slice %arg15[%arg1, %dma_wait3A_33] : memref<16x16xf32, #tpu.memory_space<vmem_shared>> -> memref<1x16xf32, #tpu.memory_space<vmem_shared>>
        %dma_wait3A_35 = tpu.memref_squeeze %dma_wait3A_34 : memref<1x16xf32, #tpu.memory_space<vmem_shared>> -> memref<16xf32, #tpu.memory_space<vmem_shared>>
        tpu.wait_dma2 semaphore(%run_scoped3A : memref<!tpu.dma_semaphore, #tpu.memory_space<semaphore_mem>>) src(%arg13 : memref<16xf32, #tpu.memory_space<vmem>>) dst(%dma_wait3A_35 : memref<16xf32, #tpu.memory_space<vmem_shared>>)
        tpu.yield
      }) : () -> ()
      %barrier3A = arith.constant 0 : index
      tpu.barrier barrier_id(%barrier3A)
      %eq3A_19 = arith.constant 0 : i32
      %eq3A_20 = arith.cmpi eq, %arg1, %eq3A_19 : i32
      %convert_element_type3A_21 = arith.extui %eq3A_20 : i1 to i32
      %cond3A_22 = arith.constant 0 : i32
      %cond3A_23 = arith.cmpi ne, %convert_element_type3A_21, %cond3A_22 : i32
      scf.if %cond3A_23 {
        "tpu.region"() ({
          %run_scoped3A = tpu.sem_alloc : memref<!tpu.dma_semaphore, #tpu.memory_space<semaphore_mem>>
          tpu.enqueue_dma source(%arg15 : memref<16x16xf32, #tpu.memory_space<vmem_shared>>) target(%arg14 : memref<16x16xf32, #tpu.memory_space<vmem>>) target_semaphore(%run_scoped3A : memref<!tpu.dma_semaphore, #tpu.memory_space<semaphore_mem>>)
          tpu.wait_dma2 semaphore(%run_scoped3A : memref<!tpu.dma_semaphore, #tpu.memory_space<semaphore_mem>>) src(%arg15 : memref<16x16xf32, #tpu.memory_space<vmem_shared>>) dst(%arg14 : memref<16x16xf32, #tpu.memory_space<vmem>>)
          tpu.yield
        }) : () -> ()
        %broadcast_in_dim3A_24 = arith.constant 0.000000e+00 : f32
        %broadcast_in_dim3A_25 = vector.broadcast %broadcast_in_dim3A_24 : f32 to vector<16xf32>
        %get3A = arith.constant 0 : i32
        %get3A_26 = arith.index_cast %get3A : i32 to index
        %get3A_27 = arith.constant 0 : index
        %get3A_28 = tpu.vector_load %arg14[%get3A_26, %get3A_27] {strides = array<i32>} : memref<16x16xf32, #tpu.memory_space<vmem>>, vector<16xf32>,
        %add3A = arith.addf %broadcast_in_dim3A_25, %get3A_28 : vector<16xf32>
        %get3A_29 = arith.constant 1 : i32
        %get3A_30 = arith.index_cast %get3A_29 : i32 to index
        %get3A_31 = arith.constant 0 : index
        %get3A_32 = tpu.vector_load %arg14[%get3A_30, %get3A_31] {strides = array<i32>} : memref<16x16xf32, #tpu.memory_space<vmem>>, vector<16xf32>,
        %add3A_33 = arith.addf %add3A, %get3A_32 : vector<16xf32>
        %get3A_34 = arith.constant 2 : i32
        %get3A_35 = arith.index_cast %get3A_34 : i32 to index
        %get3A_36 = arith.constant 0 : index
        %get3A_37 = tpu.vector_load %arg14[%get3A_35, %get3A_36] {strides = array<i32>} : memref<16x16xf32, #tpu.memory_space<vmem>>, vector<16xf32>,
        %add3A_38 = arith.addf %add3A_33, %get3A_37 : vector<16xf32>
        %get3A_39 = arith.constant 3 : i32
        %get3A_40 = arith.index_cast %get3A_39 : i32 to index
        %get3A_41 = arith.constant 0 : index
        %get3A_42 = tpu.vector_load %arg14[%get3A_40, %get3A_41] {strides = array<i32>} : memref<16x16xf32, #tpu.memory_space<vmem>>, vector<16xf32>,
        %add3A_43 = arith.addf %add3A_38, %get3A_42 : vector<16xf32>
        %get3A_44 = arith.constant 4 : i32
        %get3A_45 = arith.index_cast %get3A_44 : i32 to index
        %get3A_46 = arith.constant 0 : index
        %get3A_47 = tpu.vector_load %arg14[%get3A_45, %get3A_46] {strides = array<i32>} : memref<16x16xf32, #tpu.memory_space<vmem>>, vector<16xf32>,
        %add3A_48 = arith.addf %add3A_43, %get3A_47 : vector<16xf32>
        %get3A_49 = arith.constant 5 : i32
        %get3A_50 = arith.index_cast %get3A_49 : i32 to index
        %get3A_51 = arith.constant 0 : index
        %get3A_52 = tpu.vector_load %arg14[%get3A_50, %get3A_51] {strides = array<i32>} : memref<16x16xf32, #tpu.memory_space<vmem>>, vector<16xf32>,
        %add3A_53 = arith.addf %add3A_48, %get3A_52 : vector<16xf32>
        %get3A_54 = arith.constant 6 : i32
        %get3A_55 = arith.index_cast %get3A_54 : i32 to index
        %get3A_56 = arith.constant 0 : index
        %get3A_57 = tpu.vector_load %arg14[%get3A_55, %get3A_56] {strides = array<i32>} : memref<16x16xf32, #tpu.memory_space<vmem>>, vector<16xf32>,
        %add3A_58 = arith.addf %add3A_53, %get3A_57 : vector<16xf32>
        %get3A_59 = arith.constant 7 : i32
        %get3A_60 = arith.index_cast %get3A_59 : i32 to index
        %get3A_61 = arith.constant 0 : index
        %get3A_62 = tpu.vector_load %arg14[%get3A_60, %get3A_61] {strides = array<i32>} : memref<16x16xf32, #tpu.memory_space<vmem>>, vector<16xf32>,
        %add3A_63 = arith.addf %add3A_58, %get3A_62 : vector<16xf32>
        %get3A_64 = arith.constant 8 : i32
        %get3A_65 = arith.index_cast %get3A_64 : i32 to index
        %get3A_66 = arith.constant 0 : index
        %get3A_67 = tpu.vector_load %arg14[%get3A_65, %get3A_66] {strides = array<i32>} : memref<16x16xf32, #tpu.memory_space<vmem>>, vector<16xf32>,
        %add3A_68 = arith.addf %add3A_63, %get3A_67 : vector<16xf32>
        %get3A_69 = arith.constant 9 : i32
        %get3A_70 = arith.index_cast %get3A_69 : i32 to index
        %get3A_71 = arith.constant 0 : index
        %get3A_72 = tpu.vector_load %arg14[%get3A_70, %get3A_71] {strides = array<i32>} : memref<16x16xf32, #tpu.memory_space<vmem>>, vector<16xf32>,
        %add3A_73 = arith.addf %add3A_68, %get3A_72 : vector<16xf32>
        %get3A_74 = arith.constant 10 : i32
        %get3A_75 = arith.index_cast %get3A_74 : i32 to index
        %get3A_76 = arith.constant 0 : index
        %get3A_77 = tpu.vector_load %arg14[%get3A_75, %get3A_76] {strides = array<i32>} : memref<16x16xf32, #tpu.memory_space<vmem>>, vector<16xf32>,
        %add3A_78 = arith.addf %add3A_73, %get3A_77 : vector<16xf32>
        %get3A_79 = arith.constant 11 : i32
        %get3A_80 = arith.index_cast %get3A_79 : i32 to index
        %get3A_81 = arith.constant 0 : index
        %get3A_82 = tpu.vector_load %arg14[%get3A_80, %get3A_81] {strides = array<i32>} : memref<16x16xf32, #tpu.memory_space<vmem>>, vector<16xf32>,
        %add3A_83 = arith.addf %add3A_78, %get3A_82 : vector<16xf32>
        %get3A_84 = arith.constant 12 : i32
        %get3A_85 = arith.index_cast %get3A_84 : i32 to index
        %get3A_86 = arith.constant 0 : index
        %get3A_87 = tpu.vector_load %arg14[%get3A_85, %get3A_86] {strides = array<i32>} : memref<16x16xf32, #tpu.memory_space<vmem>>, vector<16xf32>,
        %add3A_88 = arith.addf %add3A_83, %get3A_87 : vector<16xf32>
        %get3A_89 = arith.constant 13 : i32
        %get3A_90 = arith.index_cast %get3A_89 : i32 to index
        %get3A_91 = arith.constant 0 : index
        %get3A_92 = tpu.vector_load %arg14[%get3A_90, %get3A_91] {strides = array<i32>} : memref<16x16xf32, #tpu.memory_space<vmem>>, vector<16xf32>,
        %add3A_93 = arith.addf %add3A_88, %get3A_92 : vector<16xf32>
        %get3A_94 = arith.constant 14 : i32
        %get3A_95 = arith.index_cast %get3A_94 : i32 to index
        %get3A_96 = arith.constant 0 : index
        %get3A_97 = tpu.vector_load %arg14[%get3A_95, %get3A_96] {strides = array<i32>} : memref<16x16xf32, #tpu.memory_space<vmem>>, vector<16xf32>,
        %add3A_98 = arith.addf %add3A_93, %get3A_97 : vector<16xf32>
        %get3A_99 = arith.constant 15 : i32
        %get3A_100 = arith.index_cast %get3A_99 : i32 to index
        %get3A_101 = arith.constant 0 : index
        %get3A_102 = tpu.vector_load %arg14[%get3A_100, %get3A_101] {strides = array<i32>} : memref<16x16xf32, #tpu.memory_space<vmem>>, vector<16xf32>,
        %add3A_103 = arith.addf %add3A_98, %get3A_102 : vector<16xf32>
        %reduce_sum3A = arith.constant true
        %reduce_sum3A_104 = vector.broadcast %reduce_sum3A : i1 to vector<16xi1>
        %reduce_sum3A_105 = tpu.scan <sum>, %add3A_103 masked %reduce_sum3A_104 : vector<16xf32>, vector<16xi1> -> vector<16xf32>
        %reduce_sum3A_106 = vector.extract %reduce_sum3A_105[15] : f32 from vector<16xf32>
        %broadcast_in_dim3A_107 = arith.constant 0.000000e+00 : f32
        %broadcast_in_dim3A_108 = vector.broadcast %broadcast_in_dim3A_107 : f32 to vector<16xf32>
        %mul3A_109 = arith.constant 1.90734863E-6 : f32
        %mul3A_110 = arith.mulf %reduce_sum3A_106, %mul3A_109 : f32
        %add3A_111 = vector.broadcast %mul3A_110 : f32 to vector<16xf32>
        %add3A_112 = arith.addf %broadcast_in_dim3A_108, %add3A_111 : vector<16xf32>
        %swap3A_113 = arith.constant 0 : index
        %swap3A_114 = tpu.vector_load %arg13[%swap3A_113] {strides = array<i32>} : memref<16xf32, #tpu.memory_space<vmem>>, vector<16xf32>,
        tpu.vector_store %arg13[%swap3A_113], %add3A_112 {strides = array<i32>} : memref<16xf32, #tpu.memory_space<vmem>>, vector<16xf32>,
        "tpu.region"() ({
          %run_scoped3A = tpu.sem_alloc : memref<!tpu.dma_semaphore, #tpu.memory_space<semaphore_mem>>
          tpu.enqueue_dma source(%arg13 : memref<16xf32, #tpu.memory_space<vmem>>) target(%arg6 : memref<16xf32, #tpu.memory_space<hbm>>) target_semaphore(%run_scoped3A : memref<!tpu.dma_semaphore, #tpu.memory_space<semaphore_mem>>)
          tpu.wait_dma2 semaphore(%run_scoped3A : memref<!tpu.dma_semaphore, #tpu.memory_space<semaphore_mem>>) src(%arg13 : memref<16xf32, #tpu.memory_space<vmem>>) dst(%arg6 : memref<16xf32, #tpu.memory_space<hbm>>)
          tpu.yield
        }) : () -> ()
      } else {
      }
    } else {
    }
    %eq3A_2 = arith.constant 0 : i32
    %eq3A_3 = arith.cmpi eq, %arg0, %eq3A_2 : i32
    %convert_element_type3A_4 = arith.extui %eq3A_3 : i1 to i32
    %cond3A_5 = arith.constant 0 : i32
    %cond3A_6 = arith.cmpi ne, %convert_element_type3A_4, %cond3A_5 : i32
    scf.if %cond3A_6 {
      "tpu.region"() ({
        %run_scoped3A = tpu.sem_alloc : memref<!tpu.dma_semaphore, #tpu.memory_space<semaphore_mem>>
        tpu.enqueue_dma source(%arg3 : memref<4096xi32, #tpu.memory_space<hbm>>) target(%arg11 : memref<4096xi32, #tpu.memory_space<vmem>>) target_semaphore(%run_scoped3A : memref<!tpu.dma_semaphore, #tpu.memory_space<semaphore_mem>>)
        tpu.wait_dma2 semaphore(%run_scoped3A : memref<!tpu.dma_semaphore, #tpu.memory_space<semaphore_mem>>) src(%arg3 : memref<4096xi32, #tpu.memory_space<hbm>>) dst(%arg11 : memref<4096xi32, #tpu.memory_space<vmem>>)
        tpu.yield
      }) : () -> ()
      %mul3A = arith.constant 512 : i32
      %mul3A_7 = arith.muli %arg1, %mul3A : i32
      %broadcast_in_dim3A = arith.constant 0.000000e+00 : f32
      %broadcast_in_dim3A_8 = vector.broadcast %broadcast_in_dim3A : f32 to vector<16xf32>
      %broadcast_in_dim3A_9 = arith.constant 1.000000e+00 : f32
      %broadcast_in_dim3A_10 = vector.broadcast %broadcast_in_dim3A_9 : f32 to vector<16xf32>
      %scan3A = arith.constant 0 : i32
      %scan3A_11 = arith.constant 0 : i32
      %scan3A_12 = arith.constant 32 : i32
      %scan3A_13 = arith.addi %scan3A_11, %scan3A_12 : i32
      %scan3A_14 = arith.constant 1 : i32
      scf.for %scan3A_36 = %scan3A_11 to %scan3A_13 step %scan3A_14  : i32 {
        %mul3A_37 = arith.constant 16 : i32
        %mul3A_38 = arith.muli %scan3A_36, %mul3A_37 : i32
        %swap3A_39 = arith.index_cast %mul3A_38 : i32 to index
        %swap3A_40 = tpu.vector_load %arg12[%swap3A_39] {strides = array<i32>} : memref<512xf32, #tpu.memory_space<vmem>>, vector<16xf32>,
        tpu.vector_store %arg12[%swap3A_39], %broadcast_in_dim3A_8 {strides = array<i32>} : memref<512xf32, #tpu.memory_space<vmem>>, vector<16xf32>,
      }
      %scan3A_15 = arith.constant 32 : i32
      %scan3A_16 = arith.constant 0 : i32
      %scan3A_17 = arith.constant 0 : i32
      %scan3A_18 = arith.constant 256 : i32
      %scan3A_19 = arith.addi %scan3A_17, %scan3A_18 : i32
      %scan3A_20 = arith.constant 1 : i32
      scf.for %scan3A_36 = %scan3A_17 to %scan3A_19 step %scan3A_20  : i32 {
        %mul3A_37 = arith.constant 16 : i32
        %mul3A_38 = arith.muli %scan3A_36, %mul3A_37 : i32
        %get3A = arith.index_cast %mul3A_38 : i32 to index
        %get3A_39 = tpu.vector_load %arg11[%get3A] {strides = array<i32>} : memref<4096xi32, #tpu.memory_space<vmem>>, vector<16xi32>,
        %ge3A = vector.broadcast %mul3A_7 : i32 to vector<16xi32>
        %ge3A_40 = arith.cmpi sge, %get3A_39, %ge3A : vector<16xi32>
        %add3A = arith.constant 512 : i32
        %add3A_41 = arith.addi %mul3A_7, %add3A : i32
        %lt3A = vector.broadcast %add3A_41 : i32 to vector<16xi32>
        %lt3A_42 = arith.cmpi slt, %get3A_39, %lt3A : vector<16xi32>
        %and3A = arith.andi %ge3A_40, %lt3A_42 : vector<16xi1>
        %sub3A = vector.broadcast %mul3A_7 : i32 to vector<16xi32>
        %sub3A_43 = arith.subi %get3A_39, %sub3A : vector<16xi32>
        tpu.vector_store_idx %arg12[%sub3A_43], %broadcast_in_dim3A_10 masked %and3A {add = true} : memref<512xf32, #tpu.memory_space<vmem>>[vector<16xi32>], vector<16xf32>, vector<16xi1>
      }
      %scan3A_21 = arith.constant 256 : i32
      %broadcast_in_dim3A_22 = arith.constant 0.000000e+00 : f32
      %broadcast_in_dim3A_23 = vector.broadcast %broadcast_in_dim3A_22 : f32 to vector<16xf32>
      %scan3A_24 = arith.constant 0 : i32
      %scan3A_25 = arith.constant 32 : i32
      %scan3A_26 = arith.addi %scan3A_24, %scan3A_25 : i32
      %scan3A_27 = arith.constant 1 : i32
      %scan3A_28 = scf.for %scan3A_36 = %scan3A_24 to %scan3A_26 step %scan3A_27 iter_args(%scan3A_37 = %broadcast_in_dim3A_23) -> (vector<16xf32>)  : i32 {
        %mul3A_38 = arith.constant 16 : i32
        %mul3A_39 = arith.muli %scan3A_36, %mul3A_38 : i32
        %get3A = arith.index_cast %mul3A_39 : i32 to index
        %get3A_40 = tpu.vector_load %arg12[%get3A] {strides = array<i32>} : memref<512xf32, #tpu.memory_space<vmem>>, vector<16xf32>,
        %mul3A_41 = arith.constant 2.44140625E-4 : f32
        %mul3A_42 = vector.broadcast %mul3A_41 : f32 to vector<16xf32>
        %mul3A_43 = arith.mulf %get3A_40, %mul3A_42 : vector<16xf32>
        %add3A = arith.constant 1.000000e-10 : f32
        %add3A_44 = vector.broadcast %add3A : f32 to vector<16xf32>
        %add3A_45 = arith.addf %mul3A_43, %add3A_44 : vector<16xf32>
        %bitcast3A = vector.bitcast %add3A_45 : vector<16xf32> to vector<16xi32>
        %shift_right_arithmetic3A = arith.constant 23 : i32
        %shift_right_arithmetic3A_46 = vector.broadcast %shift_right_arithmetic3A : i32 to vector<16xi32>
        %shift_right_arithmetic3A_47 = arith.shrsi %bitcast3A, %shift_right_arithmetic3A_46 : vector<16xi32>
        %sub3A = arith.constant 127 : i32
        %sub3A_48 = vector.broadcast %sub3A : i32 to vector<16xi32>
        %sub3A_49 = arith.subi %shift_right_arithmetic3A_47, %sub3A_48 : vector<16xi32>
        %and3A = arith.constant 8388607 : i32
        %and3A_50 = vector.broadcast %and3A : i32 to vector<16xi32>
        %and3A_51 = arith.andi %bitcast3A, %and3A_50 : vector<16xi32>
        %or3A = arith.constant 1065353216 : i32
        %or3A_52 = vector.broadcast %or3A : i32 to vector<16xi32>
        %or3A_53 = arith.ori %and3A_51, %or3A_52 : vector<16xi32>
        %bitcast3A_54 = vector.bitcast %or3A_53 : vector<16xi32> to vector<16xf32>
        %broadcast_in_dim3A_55 = arith.constant 0.0434286855 : f32
        %broadcast_in_dim3A_56 = vector.broadcast %broadcast_in_dim3A_55 : f32 to vector<16xf32>
        %mul3A_57 = arith.mulf %broadcast_in_dim3A_56, %bitcast3A_54 : vector<16xf32>
        %add3A_58 = arith.constant -0.404864639 : f32
        %add3A_59 = vector.broadcast %add3A_58 : f32 to vector<16xf32>
        %add3A_60 = arith.addf %mul3A_57, %add3A_59 : vector<16xf32>
        %mul3A_61 = arith.mulf %add3A_60, %bitcast3A_54 : vector<16xf32>
        %add3A_62 = arith.constant 1.59389126 : f32
        %add3A_63 = vector.broadcast %add3A_62 : f32 to vector<16xf32>
        %add3A_64 = arith.addf %mul3A_61, %add3A_63 : vector<16xf32>
        %mul3A_65 = arith.mulf %add3A_64, %bitcast3A_54 : vector<16xf32>
        %add3A_66 = arith.constant -3.49247551 : f32
        %add3A_67 = vector.broadcast %add3A_66 : f32 to vector<16xf32>
        %add3A_68 = arith.addf %mul3A_65, %add3A_67 : vector<16xf32>
        %mul3A_69 = arith.mulf %add3A_68, %bitcast3A_54 : vector<16xf32>
        %add3A_70 = arith.constant 5.04685974 : f32
        %add3A_71 = vector.broadcast %add3A_70 : f32 to vector<16xf32>
        %add3A_72 = arith.addf %mul3A_69, %add3A_71 : vector<16xf32>
        %mul3A_73 = arith.mulf %add3A_72, %bitcast3A_54 : vector<16xf32>
        %add3A_74 = arith.constant -2.78680754 : f32
        %add3A_75 = vector.broadcast %add3A_74 : f32 to vector<16xf32>
        %add3A_76 = arith.addf %mul3A_73, %add3A_75 : vector<16xf32>
        %convert_element_type3A_77 = arith.sitofp %sub3A_49 : vector<16xi32> to vector<16xf32>
        %add3A_78 = arith.addf %convert_element_type3A_77, %add3A_76 : vector<16xf32>
        %mul3A_79 = arith.constant 0.693147182 : f32
        %mul3A_80 = vector.broadcast %mul3A_79 : f32 to vector<16xf32>
        %mul3A_81 = arith.mulf %mul3A_80, %add3A_78 : vector<16xf32>
        %mul3A_82 = arith.mulf %mul3A_43, %mul3A_81 : vector<16xf32>
        %add3A_83 = arith.addf %scan3A_37, %mul3A_82 : vector<16xf32>
        scf.yield %add3A_83 : vector<16xf32>
      }
      %scan3A_29 = arith.constant 32 : i32
      %swap3A = arith.constant 0 : index
      %swap3A_30 = tpu.vector_load %arg13[%swap3A] {strides = array<i32>} : memref<16xf32, #tpu.memory_space<vmem>>, vector<16xf32>,
      tpu.vector_store %arg13[%swap3A], %scan3A_28 {strides = array<i32>} : memref<16xf32, #tpu.memory_space<vmem>>, vector<16xf32>,
      "tpu.region"() ({
        %run_scoped3A = tpu.sem_alloc : memref<!tpu.dma_semaphore, #tpu.memory_space<semaphore_mem>>
        %dma_start3A = arith.constant 0 : i32
        %dma_start3A_36 = tpu.memref_slice %arg15[%arg1, %dma_start3A] : memref<16x16xf32, #tpu.memory_space<vmem_shared>> -> memref<1x16xf32, #tpu.memory_space<vmem_shared>>
        %dma_start3A_37 = tpu.memref_squeeze %dma_start3A_36 : memref<1x16xf32, #tpu.memory_space<vmem_shared>> -> memref<16xf32, #tpu.memory_space<vmem_shared>>
        %dma_start3A_38 = arith.constant 0 : i32
        %dma_start3A_39 = tpu.memref_slice %arg15[%arg1, %dma_start3A_38] : memref<16x16xf32, #tpu.memory_space<vmem_shared>> -> memref<1x16xf32, #tpu.memory_space<vmem_shared>>
        %dma_start3A_40 = tpu.memref_squeeze %dma_start3A_39 : memref<1x16xf32, #tpu.memory_space<vmem_shared>> -> memref<16xf32, #tpu.memory_space<vmem_shared>>
        tpu.enqueue_dma source(%arg13 : memref<16xf32, #tpu.memory_space<vmem>>) target(%dma_start3A_40 : memref<16xf32, #tpu.memory_space<vmem_shared>>) target_semaphore(%run_scoped3A : memref<!tpu.dma_semaphore, #tpu.memory_space<semaphore_mem>>)
        %dma_wait3A = arith.constant 0 : i32
        %dma_wait3A_41 = tpu.memref_slice %arg15[%arg1, %dma_wait3A] : memref<16x16xf32, #tpu.memory_space<vmem_shared>> -> memref<1x16xf32, #tpu.memory_space<vmem_shared>>
        %dma_wait3A_42 = tpu.memref_squeeze %dma_wait3A_41 : memref<1x16xf32, #tpu.memory_space<vmem_shared>> -> memref<16xf32, #tpu.memory_space<vmem_shared>>
        %dma_wait3A_43 = arith.constant 0 : i32
        %dma_wait3A_44 = tpu.memref_slice %arg15[%arg1, %dma_wait3A_43] : memref<16x16xf32, #tpu.memory_space<vmem_shared>> -> memref<1x16xf32, #tpu.memory_space<vmem_shared>>
        %dma_wait3A_45 = tpu.memref_squeeze %dma_wait3A_44 : memref<1x16xf32, #tpu.memory_space<vmem_shared>> -> memref<16xf32, #tpu.memory_space<vmem_shared>>
        tpu.wait_dma2 semaphore(%run_scoped3A : memref<!tpu.dma_semaphore, #tpu.memory_space<semaphore_mem>>) src(%arg13 : memref<16xf32, #tpu.memory_space<vmem>>) dst(%dma_wait3A_45 : memref<16xf32, #tpu.memory_space<vmem_shared>>)
        tpu.yield
      }) : () -> ()
      %barrier3A = arith.constant 0 : index
      tpu.barrier barrier_id(%barrier3A)
      %eq3A_31 = arith.constant 0 : i32
      %eq3A_32 = arith.cmpi eq, %arg1, %eq3A_31 : i32
      %convert_element_type3A_33 = arith.extui %eq3A_32 : i1 to i32
      %cond3A_34 = arith.constant 0 : i32
      %cond3A_35 = arith.cmpi ne, %convert_element_type3A_33, %cond3A_34 : i32
      scf.if %cond3A_35 {
        "tpu.region"() ({
          %run_scoped3A = tpu.sem_alloc : memref<!tpu.dma_semaphore, #tpu.memory_space<semaphore_mem>>
          tpu.enqueue_dma source(%arg15 : memref<16x16xf32, #tpu.memory_space<vmem_shared>>) target(%arg14 : memref<16x16xf32, #tpu.memory_space<vmem>>) target_semaphore(%run_scoped3A : memref<!tpu.dma_semaphore, #tpu.memory_space<semaphore_mem>>)
          tpu.wait_dma2 semaphore(%run_scoped3A : memref<!tpu.dma_semaphore, #tpu.memory_space<semaphore_mem>>) src(%arg15 : memref<16x16xf32, #tpu.memory_space<vmem_shared>>) dst(%arg14 : memref<16x16xf32, #tpu.memory_space<vmem>>)
          tpu.yield
        }) : () -> ()
        %broadcast_in_dim3A_36 = arith.constant 0.000000e+00 : f32
        %broadcast_in_dim3A_37 = vector.broadcast %broadcast_in_dim3A_36 : f32 to vector<16xf32>
        %get3A = arith.constant 0 : i32
        %get3A_38 = arith.index_cast %get3A : i32 to index
        %get3A_39 = arith.constant 0 : index
        %get3A_40 = tpu.vector_load %arg14[%get3A_38, %get3A_39] {strides = array<i32>} : memref<16x16xf32, #tpu.memory_space<vmem>>, vector<16xf32>,
        %add3A = arith.addf %broadcast_in_dim3A_37, %get3A_40 : vector<16xf32>
        %get3A_41 = arith.constant 1 : i32
        %get3A_42 = arith.index_cast %get3A_41 : i32 to index
        %get3A_43 = arith.constant 0 : index
        %get3A_44 = tpu.vector_load %arg14[%get3A_42, %get3A_43] {strides = array<i32>} : memref<16x16xf32, #tpu.memory_space<vmem>>, vector<16xf32>,
        %add3A_45 = arith.addf %add3A, %get3A_44 : vector<16xf32>
        %get3A_46 = arith.constant 2 : i32
        %get3A_47 = arith.index_cast %get3A_46 : i32 to index
        %get3A_48 = arith.constant 0 : index
        %get3A_49 = tpu.vector_load %arg14[%get3A_47, %get3A_48] {strides = array<i32>} : memref<16x16xf32, #tpu.memory_space<vmem>>, vector<16xf32>,
        %add3A_50 = arith.addf %add3A_45, %get3A_49 : vector<16xf32>
        %get3A_51 = arith.constant 3 : i32
        %get3A_52 = arith.index_cast %get3A_51 : i32 to index
        %get3A_53 = arith.constant 0 : index
        %get3A_54 = tpu.vector_load %arg14[%get3A_52, %get3A_53] {strides = array<i32>} : memref<16x16xf32, #tpu.memory_space<vmem>>, vector<16xf32>,
        %add3A_55 = arith.addf %add3A_50, %get3A_54 : vector<16xf32>
        %get3A_56 = arith.constant 4 : i32
        %get3A_57 = arith.index_cast %get3A_56 : i32 to index
        %get3A_58 = arith.constant 0 : index
        %get3A_59 = tpu.vector_load %arg14[%get3A_57, %get3A_58] {strides = array<i32>} : memref<16x16xf32, #tpu.memory_space<vmem>>, vector<16xf32>,
        %add3A_60 = arith.addf %add3A_55, %get3A_59 : vector<16xf32>
        %get3A_61 = arith.constant 5 : i32
        %get3A_62 = arith.index_cast %get3A_61 : i32 to index
        %get3A_63 = arith.constant 0 : index
        %get3A_64 = tpu.vector_load %arg14[%get3A_62, %get3A_63] {strides = array<i32>} : memref<16x16xf32, #tpu.memory_space<vmem>>, vector<16xf32>,
        %add3A_65 = arith.addf %add3A_60, %get3A_64 : vector<16xf32>
        %get3A_66 = arith.constant 6 : i32
        %get3A_67 = arith.index_cast %get3A_66 : i32 to index
        %get3A_68 = arith.constant 0 : index
        %get3A_69 = tpu.vector_load %arg14[%get3A_67, %get3A_68] {strides = array<i32>} : memref<16x16xf32, #tpu.memory_space<vmem>>, vector<16xf32>,
        %add3A_70 = arith.addf %add3A_65, %get3A_69 : vector<16xf32>
        %get3A_71 = arith.constant 7 : i32
        %get3A_72 = arith.index_cast %get3A_71 : i32 to index
        %get3A_73 = arith.constant 0 : index
        %get3A_74 = tpu.vector_load %arg14[%get3A_72, %get3A_73] {strides = array<i32>} : memref<16x16xf32, #tpu.memory_space<vmem>>, vector<16xf32>,
        %add3A_75 = arith.addf %add3A_70, %get3A_74 : vector<16xf32>
        %get3A_76 = arith.constant 8 : i32
        %get3A_77 = arith.index_cast %get3A_76 : i32 to index
        %get3A_78 = arith.constant 0 : index
        %get3A_79 = tpu.vector_load %arg14[%get3A_77, %get3A_78] {strides = array<i32>} : memref<16x16xf32, #tpu.memory_space<vmem>>, vector<16xf32>,
        %add3A_80 = arith.addf %add3A_75, %get3A_79 : vector<16xf32>
        %get3A_81 = arith.constant 9 : i32
        %get3A_82 = arith.index_cast %get3A_81 : i32 to index
        %get3A_83 = arith.constant 0 : index
        %get3A_84 = tpu.vector_load %arg14[%get3A_82, %get3A_83] {strides = array<i32>} : memref<16x16xf32, #tpu.memory_space<vmem>>, vector<16xf32>,
        %add3A_85 = arith.addf %add3A_80, %get3A_84 : vector<16xf32>
        %get3A_86 = arith.constant 10 : i32
        %get3A_87 = arith.index_cast %get3A_86 : i32 to index
        %get3A_88 = arith.constant 0 : index
        %get3A_89 = tpu.vector_load %arg14[%get3A_87, %get3A_88] {strides = array<i32>} : memref<16x16xf32, #tpu.memory_space<vmem>>, vector<16xf32>,
        %add3A_90 = arith.addf %add3A_85, %get3A_89 : vector<16xf32>
        %get3A_91 = arith.constant 11 : i32
        %get3A_92 = arith.index_cast %get3A_91 : i32 to index
        %get3A_93 = arith.constant 0 : index
        %get3A_94 = tpu.vector_load %arg14[%get3A_92, %get3A_93] {strides = array<i32>} : memref<16x16xf32, #tpu.memory_space<vmem>>, vector<16xf32>,
        %add3A_95 = arith.addf %add3A_90, %get3A_94 : vector<16xf32>
        %get3A_96 = arith.constant 12 : i32
        %get3A_97 = arith.index_cast %get3A_96 : i32 to index
        %get3A_98 = arith.constant 0 : index
        %get3A_99 = tpu.vector_load %arg14[%get3A_97, %get3A_98] {strides = array<i32>} : memref<16x16xf32, #tpu.memory_space<vmem>>, vector<16xf32>,
        %add3A_100 = arith.addf %add3A_95, %get3A_99 : vector<16xf32>
        %get3A_101 = arith.constant 13 : i32
        %get3A_102 = arith.index_cast %get3A_101 : i32 to index
        %get3A_103 = arith.constant 0 : index
        %get3A_104 = tpu.vector_load %arg14[%get3A_102, %get3A_103] {strides = array<i32>} : memref<16x16xf32, #tpu.memory_space<vmem>>, vector<16xf32>,
        %add3A_105 = arith.addf %add3A_100, %get3A_104 : vector<16xf32>
        %get3A_106 = arith.constant 14 : i32
        %get3A_107 = arith.index_cast %get3A_106 : i32 to index
        %get3A_108 = arith.constant 0 : index
        %get3A_109 = tpu.vector_load %arg14[%get3A_107, %get3A_108] {strides = array<i32>} : memref<16x16xf32, #tpu.memory_space<vmem>>, vector<16xf32>,
        %add3A_110 = arith.addf %add3A_105, %get3A_109 : vector<16xf32>
        %get3A_111 = arith.constant 15 : i32
        %get3A_112 = arith.index_cast %get3A_111 : i32 to index
        %get3A_113 = arith.constant 0 : index
        %get3A_114 = tpu.vector_load %arg14[%get3A_112, %get3A_113] {strides = array<i32>} : memref<16x16xf32, #tpu.memory_space<vmem>>, vector<16xf32>,
        %add3A_115 = arith.addf %add3A_110, %get3A_114 : vector<16xf32>
        %reduce_sum3A = arith.constant true
        %reduce_sum3A_116 = vector.broadcast %reduce_sum3A : i1 to vector<16xi1>
        %reduce_sum3A_117 = tpu.scan <sum>, %add3A_115 masked %reduce_sum3A_116 : vector<16xf32>, vector<16xi1> -> vector<16xf32>
        %reduce_sum3A_118 = vector.extract %reduce_sum3A_117[15] : f32 from vector<16xf32>
        %broadcast_in_dim3A_119 = arith.constant 0.000000e+00 : f32
        %broadcast_in_dim3A_120 = vector.broadcast %broadcast_in_dim3A_119 : f32 to vector<16xf32>
        %sub3A = vector.broadcast %reduce_sum3A_118 : f32 to vector<16xf32>
        %sub3A_121 = arith.subf %broadcast_in_dim3A_120, %sub3A : vector<16xf32>
        %exp3A = math.exp %sub3A_121 : vector<16xf32>
        %swap3A_122 = arith.constant 0 : index
        %swap3A_123 = tpu.vector_load %arg13[%swap3A_122] {strides = array<i32>} : memref<16xf32, #tpu.memory_space<vmem>>, vector<16xf32>,
        tpu.vector_store %arg13[%swap3A_122], %exp3A {strides = array<i32>} : memref<16xf32, #tpu.memory_space<vmem>>, vector<16xf32>,
        "tpu.region"() ({
          %run_scoped3A = tpu.sem_alloc : memref<!tpu.dma_semaphore, #tpu.memory_space<semaphore_mem>>
          tpu.enqueue_dma source(%arg13 : memref<16xf32, #tpu.memory_space<vmem>>) target(%arg7 : memref<16xf32, #tpu.memory_space<hbm>>) target_semaphore(%run_scoped3A : memref<!tpu.dma_semaphore, #tpu.memory_space<semaphore_mem>>)
          tpu.wait_dma2 semaphore(%run_scoped3A : memref<!tpu.dma_semaphore, #tpu.memory_space<semaphore_mem>>) src(%arg13 : memref<16xf32, #tpu.memory_space<vmem>>) dst(%arg7 : memref<16xf32, #tpu.memory_space<hbm>>)
          tpu.yield
        }) : () -> ()
      } else {
      }
    } else {
    }
    return
  }
}

module attributes {stable_mosaic.version = 14 : i64} {
  func.func @_vq_body(%arg0: i32, %arg1: memref<512x32xf32, #tpu.memory_space<vmem>>, %arg2: memref<32x8192xf32, #tpu.memory_space<vmem>>, %arg3: memref<4096xi32, #tpu.memory_space<vmem>>) attributes {dimension_semantics = [#tpu.dimension_semantics<arbitrary>], iteration_bounds = array<i64: 8>, scalar_prefetch = 0 : i64, scratch_operands = 0 : i64, tpu.core_type = #tpu.core_type<tc>, window_params = [{transform_indices = @transform_0, window_bounds = array<i64: 512, 32>}, {pipeline_mode = #tpu.pipeline_mode<synchronous>, transform_indices = @transform_1, window_bounds = array<i64: 32, 8192>}, {pipeline_mode = #tpu.pipeline_mode<synchronous>, transform_indices = @transform_2, window_bounds = array<i64: 4096>}]} {
    %get3A = arith.constant 0 : index
    %get3A_0 = arith.constant 0 : index
    %get3A_1 = vector.load %arg1[%get3A, %get3A_0] : memref<512x32xf32, #tpu.memory_space<vmem>>, vector<512x32xf32>
    %get3A_2 = arith.constant 0 : index
    %get3A_3 = arith.constant 0 : index
    %get3A_4 = vector.load %arg2[%get3A_2, %get3A_3] : memref<32x8192xf32, #tpu.memory_space<vmem>>, vector<32x8192xf32>
    %mul3A = arith.constant -2.000000e+00 : f32
    %mul3A_5 = vector.broadcast %mul3A : f32 to vector<512x32xf32>
    %mul3A_6 = arith.mulf %get3A_1, %mul3A_5 : vector<512x32xf32>
    %dot_general3A = arith.constant dense<0.000000e+00> : vector<512x8192xf32>
    %dot_general3A_7 = tpu.matmul %mul3A_6, %get3A_4, %dot_general3A {dimension_numbers = #tpu.dot_dimension_numbers<[1], [0], [0], [1], [0, 0, 1, 1], [], []>, transpose_lhs_hint = false} : vector<512x32xf32>, vector<32x8192xf32>, vector<512x8192xf32> -> vector<512x8192xf32>
    %mul3A_8 = arith.mulf %get3A_1, %get3A_1 : vector<512x32xf32>
    %reduce_sum3A = arith.constant dense<0.000000e+00> : vector<512xf32>
    %reduce_sum3A_9 = vector.multi_reduction <add>, %mul3A_8, %reduce_sum3A [1] : vector<512x32xf32> to vector<512xf32>
    %broadcast_in_dim3A = vector.shape_cast %reduce_sum3A_9 : vector<512xf32> to vector<512x1xf32>
    %mul3A_10 = arith.mulf %get3A_4, %get3A_4 : vector<32x8192xf32>
    %reduce_sum3A_11 = arith.constant dense<0.000000e+00> : vector<8192xf32>
    %reduce_sum3A_12 = vector.multi_reduction <add>, %mul3A_10, %reduce_sum3A_11 [0] : vector<32x8192xf32> to vector<8192xf32>
    %broadcast_in_dim3A_13 = vector.shape_cast %reduce_sum3A_12 : vector<8192xf32> to vector<1x8192xf32>
    %add3A = vector.broadcast %broadcast_in_dim3A : vector<512x1xf32> to vector<512x8192xf32>
    %add3A_14 = vector.broadcast %broadcast_in_dim3A_13 : vector<1x8192xf32> to vector<512x8192xf32>
    %add3A_15 = arith.addf %add3A, %add3A_14 : vector<512x8192xf32>
    %add3A_16 = arith.addf %add3A_15, %dot_general3A_7 : vector<512x8192xf32>
    %argmin3A = tpu.reduce_index %add3A_16 {axis = 1 : i32, kind = #tpu.reduction_kind<arg_min>} : vector<512x8192xf32> -> vector<512xi32>
    %mul3A_17 = arith.constant 512 : i32
    %mul3A_18 = arith.muli %arg0, %mul3A_17 : i32
    %swap3A = arith.index_cast %mul3A_18 : i32 to index
    %swap3A_19 = vector.load %arg3[%swap3A] : memref<4096xi32, #tpu.memory_space<vmem>>, vector<512xi32>
    tpu.vector_store %arg3[%swap3A], %argmin3A {strides = array<i32>} : memref<4096xi32, #tpu.memory_space<vmem>>, vector<512xi32>,
    return
  }
  func.func @transform_0(%arg0: i32) -> (i32, i32) {
    %c0_i32 = arith.constant 0 : i32
    %c0_i32_0 = arith.constant 0 : i32
    return %arg0, %c0_i32 : i32, i32
  }
  func.func @transform_1(%arg0: i32) -> (i32, i32) {
    %c0_i32 = arith.constant 0 : i32
    %c0_i32_0 = arith.constant 0 : i32
    %c0_i32_1 = arith.constant 0 : i32
    return %c0_i32, %c0_i32_0 : i32, i32
  }
  func.func @transform_2(%arg0: i32) -> i32 {
    %c0_i32 = arith.constant 0 : i32
    %c0_i32_0 = arith.constant 0 : i32
    return %c0_i32 : i32
  }
}

</mosaic_0001>

<sc_bundles>
// kernel: kernel.4.cloned.1.call-start
scs
__scs_entry_jumppad:
0x0: {  	(pc) =	sbr.rel $0x88, $3  }
0x1: {  	(tag) =	ssettag $0x0;
	lr =	simm.s32 $0x1  }
0x2: {  	[smem:$0x3F9F] =	sst lr;
	_ =	strace $0xD0000000  }
0x3: {  	_ = 	snop  }
0x4: {  	_ = 	snop  }
0x5: {  	_ = 	snop  }
0x6: {  	_ = 	snop  }
0x7: {  	_ = 	snop  }
__scs_overlays_trampoline_lowered:
0x8: {  	[smem:$0x3FAE] =	sst s0  }
0x9: {  	[smem:$0x3FAF] =	sst s1  }
0xa: {  	[smem:$0x3FB0] =	sst s2  }
0xb: {  	[smem:$0x3FB1] =	sst s3  }
0xc: {  	[smem:$0x3FB2] =	sst s4  }
0xd: {  	[smem:$0x3FB3] =	sst s5  }
0xe: {  	[smem:$0x3FB4] =	sst s6  }
0xf: {  	[smem:$0x3FB5] =	sst s7  }
0x10: {  	[smem:$0x3FB6] =	sst s8  }
0x11: {  	[smem:$0x3FB7] =	sst s9;
	s0 =	simm.s32 @!p0 $0x0  }
0x12: {  	s1 =	sld [smem:$0x3F9D];
	s0 =	simm.s32 @p0 $0x1  }
0x13: {  	[smem:$0x3FB8] =	sst s0;
	s0 =	simm.s32 @!p1 $0x0  }
0x14: {  	s2 =	sld [smem:$0x3F9C];
	s0 =	simm.s32 @p1 $0x1  }
0x15: {  	[smem:$0x3FB9] =	sst s0;
	s0 =	simm.s32 @!p2 $0x0  }
0x16: {  	s3 =	sld [smem:$0x3FDB];
	s0 =	simm.s32 @p2 $0x1  }
0x17: {  	s4 =	simm.s32 $0x1BF5;
	[smem:$0x3FBB] =	sst s0  }
0x18: {  	s0 =	sld [smem:$0x3F9E];
	_ =	swait.ge [sflag:s4], $0x0  }
0x19: {  	s7 =	sld [smem:$0x3F9F]  }
0x1a: {  	s8 =	sadd.s32 $0xFFFFE003, lr  }
0x1b: {  	s9 =	sadd.s32 $0xFFFFFEF7, lr;
	s5 =	simm.s32 $0xFFFFFFFF;
	p2 =	slt.u32 s8, $0xFFFFF086  }
0x1c: {  	p1 =	slt.u32 s9, $0xF7A;
	s5 =	simm.s32 @!p2 $0x0  }
0x1d: {  	s5 =	simm.s32 @p1 $0x1;
	p0 =	seq.s32 s7, s2  }
0x1e: {  	s7 =	smul.u32 @!p0 $0xF7A, s2;
	p2 =	seq.s32 @!p0 s5, $0x0  }
0x1f: {  	s9 =	smul.u32 $0xF7A, s1;
	s8 =	simm.s32 @!p0 $0x1BF5;
	p2 =	por !p2, p0  }
0x20: {  	[sflag:s8] =	ssyncset.s32 @!p0 $0xFFFFF086;
	s6 =	sadd.s32 @!p0 s3, s7;
	s7 =	simm.s32 @!p0 $0x108  }
0x21: {  	s3 =	sadd.s32 s3, s9;
	s6 =	sadd.s32 @!p0 $0x88, s6;
	s7 =	simm.s32 @p2 $0x1082  }
0x22: {  	[simem:s7], [sflag:s8] =	dma.local @!p0 [hbm:s6], $0xF7A  }
0x23: {  	s9 =	sor.u32 $0xD0000000, s2;
	s6 =	simm.s32 $0x108;
	_ =	swait.ge @!p0 [sflag:s8], $0x0  }
0x24: {  	s3 =	sadd.s32 $0x88, s3;
	s6 =	simm.s32 @!p1 $0x1082;
	[sflag:s4] =	ssyncset.s32 $0xFFFFF086  }
0x25: {  	[simem:s6], [sflag:s4] =	dma.local [hbm:s3], $0xF7A  }
0x26: {  	[smem:$0x3F9F] =	sst s1;
	(tag) =	ssettag s2;
	_ =	strace s9  }
0x27: {  	s1 =	sld [smem:$0x3FAF]  }
0x28: {  	s2 =	sld [smem:$0x3FB0]  }
0x29: {  	s4 =	sld [smem:$0x3FB2]  }
0x2a: {  	p0 =	seq.s32 s5, $0x0;
	s5 =	sld [smem:$0x3FB3]  }
0x2b: {  	s6 =	sld [smem:$0x3FB4]  }
0x2c: {  	s7 =	sld [smem:$0x3FB5]  }
0x2d: {  	s3 =	simm.s32 $0x108;
	s8 =	sld [smem:$0x3FB6]  }
0x2e: {  	s3 =	simm.s32 @!p0 $0x1082;
	s9 =	sld [smem:$0x3FB7]  }
0x2f: {  	lr =	sadd.s32 s0, s3;
	s0 =	sld [smem:$0x3FAE]  }
0x30: {  	s3 =	sld [smem:$0x3FB1]  }
0x31: {  	[smem:$0x3FBA] =	sst s10  }
0x32: {  	s10 =	sld [smem:$0x3FB8];
	_ =	sdelay $0x3  }
0x33: {  	p0 =	seq.s32 s10, $0x1;
	s10 =	sld [smem:$0x3FBA];
	_ =	sdelay $0x3  }
0x34: {  	[smem:$0x3FBA] =	sst s10  }
0x35: {  	s10 =	sld [smem:$0x3FB9];
	_ =	sdelay $0x3  }
0x36: {  	p1 =	seq.s32 s10, $0x1;
	s10 =	sld [smem:$0x3FBA];
	_ =	sdelay $0x3  }
0x37: {  	[smem:$0x3FBA] =	sst s10  }
0x38: {  	s10 =	sld [smem:$0x3FBB]  }
0x39: {  	_ = 	snop;
	(pc) =	sbr.ind lr, $3  }
0x3a: {  	_ = 	snop  }
0x3b: {  	_ = 	snop  }
0x3c: {  	p2 =	seq.s32 s10, $0x1;
	s10 =	sld [smem:$0x3FBA]  }
0x3d: {  	_ =	shalt  }
0x3e: {  	_ =	shalt  }
0x3f: {  	_ =	shalt  }
0x40: {  	_ =	shalt  }
0x41: {  	_ =	shalt  }
0x42: {  	_ =	shalt  }
0x43: {  	_ =	shalt  }
0x44: {  	_ =	shalt  }
0x45: {  	_ =	shalt  }
0x46: {  	_ =	shalt  }
0x47: {  	_ =	shalt  }
0x48: {  	_ =	shalt  }
0x49: {  	_ =	shalt  }
0x4a: {  	_ =	shalt  }
0x4b: {  	_ =	shalt  }
0x4c: {  	_ =	shalt  }
0x4d: {  	_ =	shalt  }
0x4e: {  	_ =	shalt  }
0x4f: {  	_ =	shalt  }
0x50: {  	_ =	shalt  }
0x51: {  	_ =	shalt  }
0x52: {  	_ =	shalt  }
0x53: {  	_ =	shalt  }
0x54: {  	_ =	shalt  }
0x55: {  	_ =	shalt  }
0x56: {  	_ =	shalt  }
0x57: {  	_ =	shalt  }
0x58: {  	_ =	shalt  }
0x59: {  	_ =	shalt  }
0x5a: {  	_ =	shalt  }
0x5b: {  	_ =	shalt  }
0x5c: {  	_ =	shalt  }
0x5d: {  	_ =	shalt  }
0x5e: {  	_ =	shalt  }
0x5f: {  	_ =	shalt  }
0x60: {  	_ =	shalt  }
0x61: {  	_ =	shalt  }
0x62: {  	_ =	shalt  }
0x63: {  	_ =	shalt  }
0x64: {  	_ =	shalt  }
0x65: {  	_ =	shalt  }
0x66: {  	_ =	shalt  }
0x67: {  	_ =	shalt  }
0x68: {  	_ =	shalt  }
0x69: {  	_ =	shalt  }
0x6a: {  	_ =	shalt  }
0x6b: {  	_ =	shalt  }
0x6c: {  	_ =	shalt  }
0x6d: {  	_ =	shalt  }
0x6e: {  	_ =	shalt  }
0x6f: {  	_ =	shalt  }
0x70: {  	_ =	shalt  }
0x71: {  	_ =	shalt  }
0x72: {  	_ =	shalt  }
0x73: {  	_ =	shalt  }
0x74: {  	_ =	shalt  }
0x75: {  	_ =	shalt  }
0x76: {  	_ =	shalt  }
0x77: {  	_ =	shalt  }
0x78: {  	_ =	shalt  }
0x79: {  	_ =	shalt  }
0x7a: {  	_ =	shalt  }
0x7b: {  	_ =	shalt  }
0x7c: {  	_ =	shalt  }
0x7d: {  	_ =	shalt  }
0x7e: {  	_ =	shalt  }
0x7f: {  	_ =	shalt  }
0x80: {  	_ =	shalt  }
0x81: {  	_ =	shalt  }
0x82: {  	_ =	shalt  }
0x83: {  	_ =	shalt  }
0x84: {  	_ =	shalt  }
0x85: {  	_ =	shalt  }
0x86: {  	_ =	shalt  }
0x87: {  	_ =	shalt  }
.Lfunc_end0:
.L_simem_size_0:
called_computation_lowered:
.L_overlay_start_0:
0x88: {  	s2 =	sld [smem:$0x3FD9]  }
0x89: {  	s3 =	sld [smem:$0x3FFE];
	_ =	sdelay $0x1  }
0x8a: {  	s1 =	srdreg.scid  }
0x8b: {  	s0 =	sand.u32 $0x1, s1  }
0x8c: {  	s14 =	sshll.u32 s0, $0xA;
	s2 =	sadd.s32 s3, s2  }
0x8d: {  	s2 =	sadd.s32 s2, s14  }
0x8e: {  	[smem:$0x3FC6] =	sst s2  }
0x8f: {  	_ = 	snop  }
0x90: {  	s2 =	sld [smem:$0x3FD0];
	_ =	sdelay $0x2  }
0x91: {  	s15 =	simm.s32 $0xA;
	s4 =	simm.s32 $0x10  }
0x92: {  	[smem:s4], [sflag:s15] =	dma.local [hbm:s2], $0x1  }
0x93: {  	_ =	swait.eq [sflag:s15], $0x1  }
0x94: {  	s16 =	sld [smem:$0x10]  }
0x95: {  	s17 =	sld [smem:$0x11];
	[sflag:s15] =	ssyncset.done $0x0  }
0x96: {  	s5 =	sld [smem:$0x12];
	[sflag:s15] =	ssyncadd.s32 $0xFFFFFFFF  }
0x97: {  	s18 =	sld [smem:$0x13];
	(tm) =	ssettm $0x1  }
0x98: {  	s6 =	sld [smem:$0x3FFB];
	_ =	sdelay $0x3  }
0x99: {  	_ =	strace s6  }
0x9a: {  	s6 =	sld [smem:$0x3FFC];
	_ =	sdelay $0x3  }
0x9b: {  	_ =	strace s6  }
0x9c: {  	s6 =	sld [smem:$0x3FFD];
	_ =	sdelay $0x3  }
0x9d: {  	_ =	strace s6  }
0x9e: {  	_ =	strace $0x8FFFFFFF  }
0x9f: {  	s19 =	sld [smem:$0x3FDB];
	_ =	sdelay $0x1  }
0xa0: {  	s7 =	simm.s32 $_scs_section_size  }
0xa1: {  	s8 =	simm.s32 $_size__tile_overlayer_lowered;
	s9 =	simm.s32 $_tile_overlayer_lowered  }
0xa2: {  	s22 =	simm.s32 $0x1BFF;
	s21 =	sshll.u32 s9, $0x1;
	s6 =	sadd.s32 s7, s19  }
0xa3: {  	s10 =	simm.s32 $0x0;
	s20 =	sshll.u32 s8, $0x1;
	s8 =	sadd.s32 s21, s6  }
0xa4: {  	[timem:s10], [sflag:s22] =	dma.local [hbm:s8], s20  }
0xa5: {  	_ =	swait.ge [sflag:s22], s20  }
0xa6: {  	s7 =	ssub.s32 $0x0, s20;
	[sflag:s22] =	ssyncset.done $0x0  }
0xa7: {  	[sflag:s22] =	ssyncadd.s32 s7;
	_ =	sdelay $0x1  }
0xa8: {  	s23 =	simm.s32 $0x1B8B  }
0xa9: {  	_ =	swait.ge [sflag:s23], $0x1  }
0xaa: {  	[sflag:s23] =	ssyncset.done $0x0  }
0xab: {  	s25 =	simm.s32 $0x1B8E;
	s24 =	sld [smem:$0x3FFE];
	[sflag:s23] =	ssyncadd.s32 $0xFFFFFFFF  }
0xac: {  	s26 =	simm.s32 $execute0_lowered;
	[smem:$0x3FD2] =	sst s25  }
0xad: {  	s8 =	sshll.u32 s26, $0x1;
	_ =	strace $0x80000046;
	[dreg:$0x1] =	wrdreg $0xFFFFFFFF  }
0xae: {  	s28 =	simm.s32 $_size_execute0_lowered;
	s6 =	sadd.s32 s6, s8;
	[dreg:$0x0] =	wrdreg $0x0  }
0xaf: {  	s8 =	sshll.u32 s28, $0x1;
	[dreg:$0x2] =	wrdreg s6  }
0xb0: {  	[dreg:$0x3] =	wrdreg s8  }
0xb1: {  	[dreg:$0x4] =	wrdreg $0xC0  }
0xb2: {  	_ =	task [dreg:s10], $0x5FFFF  }
0xb3: {  	[dreg:$0x1] =	wrdreg $0xFFFFFFFF  }
0xb4: {  	[dreg:$0x0] =	wrdreg $0x60  }
0xb5: {  	[dreg:$0x2] =	wrdreg s24  }
0xb6: {  	[dreg:$0x3] =	wrdreg s5  }
0xb7: {  	[dreg:$0x4] =	wrdreg s16  }
0xb8: {  	[dreg:$0x5] =	wrdreg s17  }
0xb9: {  	[dreg:$0x6] =	wrdreg s18  }
0xba: {  	[dreg:$0x7] =	wrdreg $0x54100  }
0xbb: {  	[dreg:$0x8] =	wrdreg $0x9  }
0xbc: {  	_ =	task.clear_ibuf [dreg:s10], $0x9FFFF;
	_ =	strace $0x90000046  }
0xbd: {  	s29 =	simm.s32 $0x9;
	_ =	strace $0x80000048  }
0xbe: {  	_ =	swait.ge [sflag:s29], $0x1  }
0xbf: {  	[sflag:s29] =	ssyncadd.s32 $0xFFFFFFFF  }
0xc0: {  	_ =	strace $0x90000048  }
0xc1: {  	_ =	sfence  }
0xc2: {  	s30 =	sld [smem:$0x0];
	_ =	sdelay $0x2  }
0xc3: {  	s31 =	sshll.u32 s1, $0xD;
	s1 =	sshrl.u32 s1, $0x2  }
0xc4: {  	s3 =	sand.u32 $0x4000, s31;
	s1 =	sadd.s32 s1, s30  }
0xc5: {  	s0 =	sor.u32 s3, s0;
	s1 =	sshll.u32 s1, $0x11  }
0xc6: {  	s0 =	sor.u32 s1, s0  }
0xc7: {  	s0 =	sadd.s32 $0x8F2B, s0  }
0xc8: {  	[sflag:s0] =	ssyncadd.remote.s32 $0x1  }
0xc9: {  	_ =	sfence.sel $0xFFFF  }
0xca: {  	[dreg:$0x0] =	wrdreg $0xFFFFFFFF;
	(pc) =	sbr.abs _section_cstart, $3  }
0xcb: {  	[dreg:$0x1] =	wrdreg $0xFFFFFFFF  }
0xcc: {  	_ =	task.clear_ibuf [dreg:s10], $0x2FFFF;
	_ =	strace $0x9FFFFFFF  }
0xcd: {  	(tm) =	ssettm $0x7FFFFFFF  }
tec
execute0_lowered:
.L_overlay_start_1:
0x0: {  	(tag) =	ssettag $0x1  }
0x1: {  	s7 =	rddreg [dreg:$0x0]  }
0x2: {  	s1 =	rddreg [dreg:$0x1]  }
0x3: {  	s10 =	rddreg [dreg:$0x2]  }
0x4: {  	s2 =	rddreg [dreg:$0x3]  }
0x5: {  	s3 =	rddreg [dreg:$0x4]  }
0x6: {  	s4 =	rddreg [dreg:$0x5]  }
0x7: {  	s0 =	rddreg [dreg:$0x6]  }
0x8: {  	s5 =	simm.s32 $0x0;
	s6 =	srdreg.scid;
	s16 =	stileid.u32  }
0x9: {  	s14 =	simm.s32 $0x1;
	s15 =	simm.s32 $0x2100;
	s19 =	simm.s32 $0x5100  }
0xa: {  	s20 =	simm.s32 $0x0;
	[smem:$0x7FF] =	sst s5;
	s8 =	sand.u32 $0x1, s6  }
0xb: {  	s11 =	sshll.u32 s16, $0xA;
	s6 =	sadd.s32 $0xC00, s7;
	s17 =	sshll.u32 s16, $0x9  }
0xc: {  	s30 =	sshll.u32 s16, $0x4;
	s31 =	sshll.u32 s16, $0x5;
	p1 =	sne.s32 s16, $0x0  }
0xd: {  	s16 =	simm.s32 $0x5300;
	_ =	strace $0x80000047;
	s9 =	ssub.s32 $0x2, s8  }
.Ltmp0:
0xe: {  	s12 =	sadd.s32 s11, s7;
	p0 =	seq.s32 s8, $0x1;
	(pc) =	sbr.rel .LBB2_1-.Ltmp0, $4  }
0xf: {  	s18 =	sadd.s32 $0x200, s17;
	s7 =	sadd.s32 s30, s4;
	s8 =	sadd.s32 s1, s31  }
0x10: {  	s10 =	sadd.s32 s10, s11;
	v0 =	vmov s17;
	s17 =	simm.s32 $0x5310;
	s29 =	sshrl.u32 s9, $0x1  }
0x11: {  	v1 =	vmov s18;
	s18 =	simm.s32 $0x4100;
	s13 =	ssub.s32 s9, s29;
	s9 =	sadd.s32 $0x8C00, s12  }
0x12: {  	v2 =	vimm.f32 $0.0e+00;
	v3 =	vimm.f32 $1.000000000e+00;
	s12 =	simm.s32 $0x2;
	s11 =	smax.u32 s13, $0x1;
	s13 =	simm.s32 $0x100  }
.LBB2_12:
0x13: {  	[tilespmem:$0x5300] =	vst v4  }
0x14: {  	[hbm4b:s21+s5] =	stream.linear.scatter [tilespmem:s16], [sflag:$0x2], $0x10, $0x38;
	[tilespmem:$0x5420] =	vst v63  }
0x15: {  	_ =	swait.ge [sflag:s12], $0x10  }
0x16: {  	[sflag:s12] =	ssyncset.done $0x0  }
0x17: {  	[sflag:s12] =	ssyncadd.s32 $0xFFFFFFF0  }
.LBB2_13:
0x18: {  	s20 =	sadd.s32 $0x1, s20  }
0x19: {  	p2 =	sne.s32 s20, s11  }
.Ltmp1:
0x1a: {  	_ = 	snop;
	(pc) =	sbr.rel @!p2 .LBB2_14-.Ltmp1, $1  }
0x1b: {  	_ =	sdelay $0x3  }
.LBB2_1:
.Ltmp2:
0x1c: {  	(pc) =	sbr.rel @!p0 .LBB2_6-.Ltmp2, $2  }
0x1d: {  	_ =	sdelay $0x2  }
0x1e: {  	s21 =	simm.s32 $0x0  }
0x1f: {  	[tilespmem:s21], [sflag:$0x2] =	stream.linear.gather [hbm4b:s8+s21], $0x100, $0x38;
	[tilespmem:$0x5420] =	vst v63  }
0x20: {  	_ =	swait.ge [sflag:s12], $0x100  }
0x21: {  	[sflag:s12] =	ssyncset.done $0x0  }
0x22: {  	[sflag:s12] =	ssyncadd.s32 $0xFFFFFF00  }
0x23: {  	[tilespmem:s13], [sflag:$0x1] =	stream.indirect.gather [hbm4b:s6+s13], $0x20, s21, s13, $0xb8;
	[tilespmem:$0x5420] =	vst v63  }
0x24: {  	_ =	swait.ge [sflag:s14], $0x2000  }
0x25: {  	[sflag:s14] =	ssyncset.done $0x0  }
0x26: {  	[sflag:s14] =	ssyncadd.s32 $0xFFFFE000  }
0x27: {  	[hbm4b:s9+s21] =	stream.linear.scatter [tilespmem:s13], [sflag:$0x2], $0x2000, $0x38;
	[tilespmem:$0x5420] =	vst v63  }
0x28: {  	_ =	swait.ge [sflag:s12], $0x2000  }
0x29: {  	[sflag:s12] =	ssyncset.done $0x0  }
0x2a: {  	[sflag:s12] =	ssyncadd.s32 $0xFFFFE000  }
0x2b: {  	[tilespmem:s15], [sflag:$0x2] =	stream.linear.gather [hbm4b:s10+s21], $0x2000, $0x38;
	[tilespmem:$0x5420] =	vst v63  }
0x2c: {  	_ =	swait.ge [sflag:s12], $0x2000  }
0x2d: {  	[sflag:s12] =	ssyncset.done $0x0  }
0x2e: {  	s31 =	simm.s32 $0x0;
	[sflag:s12] =	ssyncadd.s32 $0xFFFFE000  }
0x2f: {  	v4 =	vld [tilespmem:s31+$0x100]  }
0x30: {  	v5 =	vld [tilespmem:s31+$0x2100]  }
0x31: {  	v7 =	vld [tilespmem:s31+$0x110]  }
0x32: {  	v8 =	vld [tilespmem:s31+$0x2110];
	_ =	sdelay $0x1  }
0x33: {  	s22 =	simm.s32 $0x20  }
0x34: {  	v6 =	vld [tilespmem:s22+$0x2100];
	v5 =	vsub.f32 v4, v5  }
0x35: {  	v4 =	vld [tilespmem:s22+$0x100]  }
0x36: {  	v9 =	vsub.f32 v7, v8;
	v7 =	vld [tilespmem:s22+$0x2110];
	v8 =	vmul.f32 v5, v5  }
0x37: {  	v10 =	vimm.f32 $0.0e+00;
	v5 =	vld [tilespmem:s22+$0x110]  }
0x38: {  	s21 =	simm.s32 $0x100;
	v9 =	vmul.f32 v9, v9;
	v8 =	vadd.f32 v8, v10  }
.LBB2_3:
0x39: {  	s22 =	sshra.s32 s21, $0x2;
	p2 =	sne.s32 s21, $0x7F80  }
.Ltmp3:
0x3a: {  	s21 =	sadd.s32 $0x80, s21;
	v10 =	vsub.f32 v4, v6;
	v4 =	vld [tilespmem:s22+$0x100];
	v8 =	vadd.f32 v9, v8;
	(pc) =	sbr.rel @p2 .LBB2_3-.Ltmp3, $4  }
0x3b: {  	v6 =	vld [tilespmem:s22+$0x2100]  }
0x3c: {  	v9 =	vsub.f32 v5, v7;
	v5 =	vld [tilespmem:s22+$0x110];
	v10 =	vmul.f32 v10, v10  }
0x3d: {  	v7 =	vld [tilespmem:s22+$0x2110]  }
0x3e: {  	v8 =	vadd.f32 v10, v8;
	v9 =	vmul.f32 v9, v9  }
0x3f: {  	_ = 	snop  }
0x40: {  	v4 =	vsub.f32 v4, v6;
	_ =	sdelay $0x1  }
0x41: {  	v63 =	vadd.f32 v9, v8;
	v5 =	vsub.f32 v5, v7;
	v4 =	vmul.f32 v4, v4;
	_ =	sdelay $0x1  }
0x42: {  	v4 =	vadd.f32 v4, v63;
	v5 =	vmul.f32 v5, v5;
	_ =	sdelay $0x1  }
0x43: {  	v4 =	vadd.f32 v5, v4;
	_ =	sdelay $0x1  }
0x44: {  	[tilespmem:$0x5300] =	vst v4  }
0x45: {  	[spmem:s7] =	stream.linear.scatter [tilespmem:s16], [sflag:$0x2], $0x10, $0x38;
	[tilespmem:$0x5420] =	vst v63  }
.Ltmp4:
0x46: {  	_ =	swait.ge [sflag:s12], $0x10;
	(pc) =	sbr.rel @p1 .LBB2_13-.Ltmp4, $3  }
0x47: {  	[sflag:s12] =	ssyncset.done $0x0  }
0x48: {  	[sflag:s12] =	ssyncadd.s32 $0xFFFFFFF0  }
0x49: {  	[bflag:$0x0] =	sbarrier.arrive $0xFFFF;
	_ =	sdelay $0x1  }
0x4a: {  	[tilespmem:s17], [sflag:$0x2] =	stream.linear.gather [spmem:s4], $0x100, $0x38;
	[tilespmem:$0x5420] =	vst v63  }
0x4b: {  	_ =	swait.ge [sflag:s12], $0x100  }
0x4c: {  	[sflag:s12] =	ssyncset.done $0x0  }
0x4d: {  	[sflag:s12] =	ssyncadd.s32 $0xFFFFFF00  }
0x4e: {  	v4 =	vld [tilespmem:$0x5310];
	_ =	sdelay $0x1  }
0x4f: {  	v5 =	vld [tilespmem:$0x5320];
	_ =	sdelay $0x1  }
0x50: {  	v6 =	vld [tilespmem:$0x5330]  }
0x51: {  	v4 =	vadd.f32 $0.0e+00, v4  }
0x52: {  	v7 =	vld [tilespmem:$0x5340]  }
0x53: {  	v4 =	vadd.f32 v5, v4  }
0x54: {  	v5 =	vld [tilespmem:$0x5350]  }
0x55: {  	v4 =	vadd.f32 v6, v4  }
0x56: {  	v6 =	vld [tilespmem:$0x5360]  }
0x57: {  	v4 =	vadd.f32 v7, v4  }
0x58: {  	v7 =	vld [tilespmem:$0x5370]  }
0x59: {  	v4 =	vadd.f32 v5, v4  }
0x5a: {  	v5 =	vld [tilespmem:$0x5380]  }
0x5b: {  	v4 =	vadd.f32 v6, v4  }
0x5c: {  	v6 =	vld [tilespmem:$0x5390]  }
0x5d: {  	v4 =	vadd.f32 v7, v4  }
0x5e: {  	v7 =	vld [tilespmem:$0x53A0]  }
0x5f: {  	v4 =	vadd.f32 v5, v4  }
0x60: {  	v5 =	vld [tilespmem:$0x53B0]  }
0x61: {  	v4 =	vadd.f32 v6, v4  }
0x62: {  	v6 =	vld [tilespmem:$0x53C0]  }
0x63: {  	v4 =	vadd.f32 v7, v4  }
0x64: {  	v7 =	vld [tilespmem:$0x53D0]  }
0x65: {  	v4 =	vadd.f32 v5, v4  }
0x66: {  	v5 =	vld [tilespmem:$0x53E0]  }
0x67: {  	v4 =	vadd.f32 v6, v4  }
0x68: {  	v6 =	vld [tilespmem:$0x53F0]  }
0x69: {  	v4 =	vadd.f32 v7, v4  }
0x6a: {  	v7 =	vld [tilespmem:$0x5400]  }
0x6b: {  	v4 =	vadd.f32 v5, v4;
	_ =	sdelay $0x1  }
0x6c: {  	v4 =	vadd.f32 v6, v4;
	_ =	sdelay $0x1  }
0x6d: {  	v4 =	vadd.f32 v7, v4;
	_ =	sdelay $0x1  }
0x6e: {  	(xrf2) =	vadd.scan.msk.f32 $0xffff, v4;
	_ =	sdelay $0x9  }
0x6f: {  	v4, _, _ =	vpop (xrf2)  }
0x70: {  	(v2sf) =	vpush v4, $0xF;
	_ =	sdelay $0xe  }
0x71: {  	s21 =	spop (v2sf)  }
0x72: {  	s21 =	smul.f32 $1.907348630e-06, s21;
	_ =	sdelay $0x1  }
.Ltmp5:
0x73: {  	v4 =	vmov s21;
	(pc) =	sbr.rel .LBB2_12-.Ltmp5, $3  }
0x74: {  	v4 =	vadd.f32 $0.0e+00, v4;
	_ =	sdelay $0x1  }
0x75: {  	v4 =	vbroadcast v4, $0x0  }
0x76: {  	s21 =	smov.u32 s2  }
.LBB2_6:
0x77: {  	[tilespmem:s18], [sflag:$0x2] =	stream.linear.gather [hbm4b:s1+s21], $0x1000, $0x38;
	[tilespmem:$0x5420] =	vst v63  }
0x78: {  	_ =	swait.ge [sflag:s12], $0x1000  }
0x79: {  	[sflag:s12] =	ssyncset.done $0x0  }
0x7a: {  	[sflag:s12] =	ssyncadd.s32 $0xFFFFF000  }
0x7b: {  	[tilespmem:$0x5100] =	vst v2  }
0x7c: {  	[tilespmem:$0x5110] =	vst v2  }
0x7d: {  	[tilespmem:$0x5120] =	vst v2  }
0x7e: {  	[tilespmem:$0x5130] =	vst v2  }
0x7f: {  	[tilespmem:$0x5140] =	vst v2  }
0x80: {  	[tilespmem:$0x5150] =	vst v2  }
0x81: {  	[tilespmem:$0x5160] =	vst v2  }
0x82: {  	[tilespmem:$0x5170] =	vst v2  }
0x83: {  	[tilespmem:$0x5180] =	vst v2  }
0x84: {  	[tilespmem:$0x5190] =	vst v2  }
0x85: {  	[tilespmem:$0x51A0] =	vst v2  }
0x86: {  	[tilespmem:$0x51B0] =	vst v2  }
0x87: {  	[tilespmem:$0x51C0] =	vst v2  }
0x88: {  	[tilespmem:$0x51D0] =	vst v2  }
0x89: {  	[tilespmem:$0x51E0] =	vst v2  }
0x8a: {  	[tilespmem:$0x51F0] =	vst v2  }
0x8b: {  	[tilespmem:$0x5200] =	vst v2  }
0x8c: {  	[tilespmem:$0x5210] =	vst v2  }
0x8d: {  	[tilespmem:$0x5220] =	vst v2  }
0x8e: {  	[tilespmem:$0x5230] =	vst v2  }
0x8f: {  	[tilespmem:$0x5240] =	vst v2  }
0x90: {  	[tilespmem:$0x5250] =	vst v2  }
0x91: {  	[tilespmem:$0x5260] =	vst v2  }
0x92: {  	[tilespmem:$0x5270] =	vst v2  }
0x93: {  	[tilespmem:$0x5280] =	vst v2  }
0x94: {  	[tilespmem:$0x5290] =	vst v2  }
0x95: {  	[tilespmem:$0x52A0] =	vst v2  }
0x96: {  	[tilespmem:$0x52B0] =	vst v2  }
0x97: {  	[tilespmem:$0x52C0] =	vst v2  }
0x98: {  	[tilespmem:$0x52D0] =	vst v2  }
0x99: {  	[tilespmem:$0x52E0] =	vst v2  }
0x9a: {  	[tilespmem:$0x52F0] =	vst v2  }
.LBB2_7:
0x9b: {  	s22 =	sshra.s32 s21, $0x2  }
0x9c: {  	v4 =	vld [tilespmem:s22+$0x4100];
	_ =	sdelay $0x4  }
0x9d: {  	vm0 =	vge.s32 v4, v0;
	vm1 =	vlt.s32 v4, v1;
	v5 =	vsub.s32 v4, v0  }
0x9e: {  	v4 =	vand.u32 $0x7, v4;
	vm0 =	vmand vm0, vm1;
	v5 =	vand.u32 $0xFFFFFFF8, v5  }
0x9f: {  	p2 =	sne.s32 s21, $0x3FC0;
	v4 =	vor.u32 v4, v5  }
.Ltmp6:
0xa0: {  	_ = 	snop;
	(pc) =	sbr.rel @p2 .LBB2_7-.Ltmp6, $2  }
0xa1: {  	_ =	sdelay $0x2  }
0xa2: {  	s21 =	sadd.s32 $0x40, s21;
	[tilespmem:v4+s19+$0x0] =	vst.idx.add.f32.msk vm0, v3  }
0xa3: {  	s21 =	simm.s32 $0x0  }
0xa4: {  	v4 =	vld [tilespmem:s21+$0x5100];
	_ =	sdelay $0x4  }
0xa5: {  	s26 =	simm.s32 $0x10;
	v7 =	vmul.f32 $2.441406250e-04, v4  }
0xa6: {  	v4 =	vld [tilespmem:s26+$0x5100]  }
0xa7: {  	v6 =	vadd.f32 $1.000000010e-10, v7;
	_ =	sdelay $0x1  }
0xa8: {  	v5 =	vand.u32 $0x7FFFFF, v6  }
0xa9: {  	v9 =	vor.u32 $0x3F800000, v5  }
0xaa: {  	s28 =	simm.s32 $0x20;
	v4 =	vmul.f32 $2.441406250e-04, v4;
	v5 =	vmul.f32 $4.342868550e-02, v9  }
0xab: {  	v8 =	vld [tilespmem:s28+$0x5100]  }
0xac: {  	v10 =	vadd.f32 $1.000000010e-10, v4;
	v5 =	vadd.f32 $-4.048646390e-01, v5;
	_ =	sdelay $0x1  }
0xad: {  	v11 =	vand.u32 $0x7FFFFF, v10;
	v12 =	vmul.f32 v9, v5  }
0xae: {  	v14 =	vor.u32 $0x3F800000, v11  }
0xaf: {  	s29 =	simm.s32 $0x30;
	v5 =	vmul.f32 $2.441406250e-04, v8;
	v11 =	vmul.f32 $4.342868550e-02, v14;
	v8 =	vadd.f32 $1.593891260e+00, v12  }
0xb0: {  	v6 =	vshra.s32 v6, $0x17;
	v12 =	vld [tilespmem:s29+$0x5100]  }
0xb1: {  	v13 =	vadd.f32 $1.000000010e-10, v5;
	v11 =	vadd.f32 $-4.048646390e-01, v11;
	v15 =	vmul.f32 v9, v8  }
0xb2: {  	v17 =	vadd.s32 $0xFFFFFF81, v6  }
0xb3: {  	v16 =	vand.u32 $0x7FFFFF, v13;
	v11 =	vmul.f32 v14, v11;
	v15 =	vadd.f32 $-3.492475510e+00, v15  }
0xb4: {  	s30 =	simm.s32 $0x40;
	v21 =	vcvt.s32.f32 v17;
	v18 =	vshra.s32 v10, $0x17;
	v10 =	vor.u32 $0x3F800000, v16  }
0xb5: {  	v6 =	vmul.f32 $2.441406250e-04, v12;
	v11 =	vadd.f32 $1.593891260e+00, v11;
	v12 =	vmul.f32 v9, v15;
	v15 =	vld [tilespmem:s30+$0x5100]  }
0xb6: {  	v18 =	vadd.s32 $0xFFFFFF81, v18;
	v13 =	vshra.s32 v13, $0x17;
	v16 =	vmul.f32 $4.342868550e-02, v10  }
0xb7: {  	v19 =	vadd.f32 $1.000000010e-10, v6;
	v20 =	vmul.f32 v14, v11;
	v12 =	vadd.f32 $5.046859740e+00, v12  }
0xb8: {  	v8 =	vimm.f32 $0.0e+00;
	v11 =	vadd.s32 $0xFFFFFF81, v13;
	v13 =	vadd.f32 $-4.048646390e-01, v16  }
0xb9: {  	v16 =	vand.u32 $0x7FFFFF, v19;
	v20 =	vadd.f32 $-3.492475510e+00, v20;
	v17 =	vmul.f32 v9, v12  }
0xba: {  	v13 =	vmul.f32 v10, v13;
	v12 =	vor.u32 $0x3F800000, v16;
	v9 =	vmul.f32 $2.441406250e-04, v15  }
0xbb: {  	s31 =	simm.s32 $0x50;
	v22 =	vmul.f32 $4.342868550e-02, v12;
	v15 =	vadd.f32 $-2.786807540e+00, v17;
	v17 =	vmul.f32 v14, v20  }
0xbc: {  	v23 =	vld [tilespmem:s31+$0x5100];
	v19 =	vshra.s32 v19, $0x17;
	v20 =	vadd.f32 $1.593891260e+00, v13;
	v16 =	vadd.f32 $1.000000010e-10, v9  }
0xbd: {  	v13 =	vadd.s32 $0xFFFFFF81, v19;
	v22 =	vadd.f32 $-4.048646390e-01, v22;
	v19 =	vadd.f32 $5.046859740e+00, v17  }
0xbe: {  	v17 =	vcvt.s32.f32 v18;
	v20 =	vmul.f32 v10, v20;
	v24 =	vadd.f32 v21, v15  }
0xbf: {  	v18 =	vand.u32 $0x7FFFFF, v16;
	v22 =	vmul.f32 v12, v22;
	v19 =	vmul.f32 v14, v19  }
0xc0: {  	v15 =	vor.u32 $0x3F800000, v18;
	v21 =	vadd.f32 $-3.492475510e+00, v20;
	v20 =	vmul.f32 $6.931471820e-01, v24  }
0xc1: {  	s21 =	simm.s32 $0x180;
	v14 =	vmul.f32 $2.441406250e-04, v23;
	v18 =	vmul.f32 $4.342868550e-02, v15;
	v19 =	vadd.f32 $-2.786807540e+00, v19  }
.LBB2_9:
0xc2: {  	s22 =	sshra.s32 s21, $0x2;
	p2 =	sne.s32 s21, $0x7C0;
	s21 =	sadd.s32 $0x40, s21;
	v23 =	vshra.s32 v16, $0x17;
	v21 =	vmul.f32 v10, v21;
	v20 =	vmul.f32 v20, v7;
	v7 =	vmovc v4;
	v4 =	vmovc v5  }
0xc3: {  	v5 =	vmovc v6;
	v6 =	vmovc v9;
	v24 =	vld [tilespmem:s22+$0x5100];
	v16 =	vadd.f32 $1.000000010e-10, v14;
	v23 =	vadd.s32 $0xFFFFFF81, v23;
	v22 =	vadd.f32 $1.593891260e+00, v22  }
.Ltmp7:
0xc4: {  	v25 =	vcvt.s32.f32 v11;
	v11 =	vmovc v13;
	v21 =	vadd.f32 $5.046859740e+00, v21;
	v8 =	vadd.f32 v20, v8;
	v13 =	vmovc v23;
	(pc) =	sbr.rel @p2 .LBB2_9-.Ltmp7, $4  }
0xc5: {  	v19 =	vadd.f32 v17, v19;
	v9 =	vmovc v14;
	v20 =	vand.u32 $0x7FFFFF, v16;
	v22 =	vmul.f32 v12, v22  }
0xc6: {  	v23 =	vadd.f32 $-4.048646390e-01, v18;
	v17 =	vmovc v25;
	v14 =	vor.u32 $0x3F800000, v20;
	v26 =	vmul.f32 v10, v21;
	v10 =	vmovc v12  }
0xc7: {  	v20 =	vmul.f32 $6.931471820e-01, v19;
	v12 =	vmovc v15;
	v18 =	vmul.f32 $4.342868550e-02, v14;
	v21 =	vadd.f32 $-3.492475510e+00, v22;
	v15 =	vmovc v14  }
0xc8: {  	v22 =	vmul.f32 v12, v23;
	v14 =	vmul.f32 $2.441406250e-04, v24;
	v19 =	vadd.f32 $-2.786807540e+00, v26  }
0xc9: {  	_ = 	snop  }
0xca: {  	v23 =	vadd.f32 $1.000000010e-10, v14;
	_ =	sdelay $0x1  }
0xcb: {  	v24 =	vand.u32 $0x7FFFFF, v23  }
0xcc: {  	v24 =	vor.u32 $0x3F800000, v24  }
0xcd: {  	v18 =	vadd.f32 $-4.048646390e-01, v18;
	v25 =	vmul.f32 $4.342868550e-02, v24;
	_ =	sdelay $0x1  }
0xce: {  	v22 =	vadd.f32 $1.593891260e+00, v22;
	v18 =	vmul.f32 v15, v18;
	v25 =	vadd.f32 $-4.048646390e-01, v25;
	_ =	sdelay $0x1  }
0xcf: {  	v22 =	vmul.f32 v12, v22;
	v18 =	vadd.f32 $1.593891260e+00, v18;
	v25 =	vmul.f32 v24, v25  }
0xd0: {  	v21 =	vmul.f32 v10, v21;
	v7 =	vmul.f32 v20, v7;
	v16 =	vshra.s32 v16, $0x17  }
0xd1: {  	v22 =	vadd.f32 $-3.492475510e+00, v22;
	v18 =	vmul.f32 v15, v18;
	v47 =	vadd.f32 $1.593891260e+00, v25  }
0xd2: {  	v11 =	vcvt.s32.f32 v11;
	v13 =	vcvt.s32.f32 v13;
	v21 =	vadd.f32 $5.046859740e+00, v21  }
0xd3: {  	v49 =	vmul.f32 v12, v22;
	v18 =	vadd.f32 $-3.492475510e+00, v18;
	v20 =	vmul.f32 v24, v47  }
0xd4: {  	v17 =	vadd.f32 v17, v19;
	v16 =	vadd.s32 $0xFFFFFF81, v16;
	v48 =	vmul.f32 v10, v21  }
0xd5: {  	v19 =	vadd.f32 $5.046859740e+00, v49;
	v50 =	vmul.f32 v15, v18;
	v51 =	vadd.f32 $-3.492475510e+00, v20  }
0xd6: {  	v7 =	vadd.f32 v7, v8;
	v57 =	vcvt.s32.f32 v16;
	v10 =	vadd.f32 $-2.786807540e+00, v48  }
0xd7: {  	v52 =	vmul.f32 v12, v19;
	v8 =	vadd.f32 $5.046859740e+00, v50;
	v18 =	vmul.f32 v24, v51  }
0xd8: {  	v17 =	vmul.f32 $6.931471820e-01, v17;
	v53 =	vshra.s32 v23, $0x17;
	v10 =	vadd.f32 v11, v10  }
0xd9: {  	v54 =	vadd.f32 $-2.786807540e+00, v52;
	v8 =	vmul.f32 v15, v8;
	v55 =	vadd.f32 $5.046859740e+00, v18  }
0xda: {  	v56 =	vadd.s32 $0xFFFFFF81, v53;
	v4 =	vmul.f32 v17, v4;
	v10 =	vmul.f32 $6.931471820e-01, v10  }
0xdb: {  	v11 =	vadd.f32 v13, v54;
	v8 =	vadd.f32 $-2.786807540e+00, v8;
	v12 =	vmul.f32 v24, v55  }
0xdc: {  	v59 =	vcvt.s32.f32 v56;
	v4 =	vadd.f32 v4, v7;
	v5 =	vmul.f32 v10, v5  }
0xdd: {  	v58 =	vmul.f32 $6.931471820e-01, v11;
	v8 =	vadd.f32 v57, v8;
	v60 =	vadd.f32 $-2.786807540e+00, v12  }
0xde: {  	v4 =	vadd.f32 v5, v4  }
0xdf: {  	v5 =	vmul.f32 v58, v6;
	v61 =	vmul.f32 $6.931471820e-01, v8;
	v62 =	vadd.f32 v59, v60;
	_ =	sdelay $0x1  }
0xe0: {  	v4 =	vadd.f32 v5, v4;
	v5 =	vmul.f32 v61, v9;
	v63 =	vmul.f32 $6.931471820e-01, v62;
	_ =	sdelay $0x1  }
0xe1: {  	v4 =	vadd.f32 v5, v4;
	v5 =	vmul.f32 v63, v14;
	_ =	sdelay $0x1  }
0xe2: {  	v4 =	vadd.f32 v5, v4;
	_ =	sdelay $0x1  }
0xe3: {  	[tilespmem:$0x5300] =	vst v4  }
0xe4: {  	[spmem:s7] =	stream.linear.scatter [tilespmem:s16], [sflag:$0x2], $0x10, $0x38;
	[tilespmem:$0x5420] =	vst v63  }
.Ltmp8:
0xe5: {  	_ =	swait.ge [sflag:s12], $0x10;
	(pc) =	sbr.rel @p1 .LBB2_13-.Ltmp8, $3  }
0xe6: {  	[sflag:s12] =	ssyncset.done $0x0  }
0xe7: {  	[sflag:s12] =	ssyncadd.s32 $0xFFFFFFF0  }
0xe8: {  	[bflag:$0x0] =	sbarrier.arrive $0xFFFF;
	_ =	sdelay $0x1  }
0xe9: {  	[tilespmem:s17], [sflag:$0x2] =	stream.linear.gather [spmem:s4], $0x100, $0x38;
	[tilespmem:$0x5420] =	vst v63  }
0xea: {  	_ =	swait.ge [sflag:s12], $0x100  }
0xeb: {  	[sflag:s12] =	ssyncset.done $0x0  }
0xec: {  	[sflag:s12] =	ssyncadd.s32 $0xFFFFFF00  }
0xed: {  	v4 =	vld [tilespmem:$0x5310];
	_ =	sdelay $0x1  }
0xee: {  	v5 =	vld [tilespmem:$0x5320];
	_ =	sdelay $0x1  }
0xef: {  	v6 =	vld [tilespmem:$0x5330]  }
0xf0: {  	v4 =	vadd.f32 $0.0e+00, v4  }
0xf1: {  	v7 =	vld [tilespmem:$0x5340]  }
0xf2: {  	v4 =	vadd.f32 v5, v4  }
0xf3: {  	v5 =	vld [tilespmem:$0x5350]  }
0xf4: {  	v4 =	vadd.f32 v6, v4  }
0xf5: {  	v6 =	vld [tilespmem:$0x5360]  }
0xf6: {  	v4 =	vadd.f32 v7, v4  }
0xf7: {  	v7 =	vld [tilespmem:$0x5370]  }
0xf8: {  	v4 =	vadd.f32 v5, v4  }
0xf9: {  	v5 =	vld [tilespmem:$0x5380]  }
0xfa: {  	v4 =	vadd.f32 v6, v4  }
0xfb: {  	v6 =	vld [tilespmem:$0x5390]  }
0xfc: {  	v4 =	vadd.f32 v7, v4  }
0xfd: {  	v7 =	vld [tilespmem:$0x53A0]  }
0xfe: {  	v4 =	vadd.f32 v5, v4  }
0xff: {  	v5 =	vld [tilespmem:$0x53B0]  }
0x100: {  	v4 =	vadd.f32 v6, v4  }
0x101: {  	v6 =	vld [tilespmem:$0x53C0]  }
0x102: {  	v4 =	vadd.f32 v7, v4  }
0x103: {  	v7 =	vld [tilespmem:$0x53D0]  }
0x104: {  	v4 =	vadd.f32 v5, v4  }
0x105: {  	v5 =	vld [tilespmem:$0x53E0]  }
0x106: {  	v4 =	vadd.f32 v6, v4  }
0x107: {  	v6 =	vld [tilespmem:$0x53F0]  }
0x108: {  	v4 =	vadd.f32 v7, v4  }
0x109: {  	v7 =	vld [tilespmem:$0x5400]  }
0x10a: {  	v4 =	vadd.f32 v5, v4;
	_ =	sdelay $0x1  }
0x10b: {  	v4 =	vadd.f32 v6, v4;
	_ =	sdelay $0x1  }
0x10c: {  	v4 =	vadd.f32 v7, v4;
	_ =	sdelay $0x1  }
0x10d: {  	(xrf2) =	vadd.scan.msk.f32 $0xffff, v4;
	_ =	sdelay $0x9  }
0x10e: {  	v4, _, _ =	vpop (xrf2)  }
0x10f: {  	v4 =	vsub.f32 $0.0e+00, v4;
	_ =	sdelay $0x1  }
0x110: {  	v4 =	vmul.f32 $1.442695020e+00, v4;
	_ =	sdelay $0x1  }
0x111: {  	v4 =	vbroadcast v4, $0xF;
	_ =	sdelay $0x1  }
0x112: {  	(erf) = vpow2.f32 v4;
	_ =	sdelay $0x4  }
.Ltmp9:
0x113: {  	_ = 	snop;
	(pc) =	sbr.rel .LBB2_12-.Ltmp9, $2  }
0x114: {  	_ =	sdelay $0x2  }
0x115: {  	s21 =	smov.u32 s3;
	v4 =	vpop (erf)  }
.LBB2_14:
0x116: {  	_ =	sfence.sel $0x180000  }
0x117: {  	[bflag:$0x0] =	sbarrier.arrive $0xFFFF  }
0x118: {  	_ =	strace $0x90000047  }
0x119: {  	s0 =	sadd.s32 @!p1 $0x100000, s0;
	[bflag:$0x2] =	sbarrier.arrive $0xFFFF  }
0x11a: {  	[sflag:s0] =	ssyncadd.tile.s32 @!p1 $0x1;
	_ =	shalt  }
.Lfunc_end2:
_tile_overlayer_lowered:
.L_overlay_start_2:
0x11b: {  	(tag) =	ssettag $0x2  }
0x11c: {  	s0 =	rddreg [dreg:$0x0];
	s2 =	stileid.u32  }
0x11d: {  	s1 =	rddreg [dreg:$0x1];
	p0 =	sne.s32 s2, $0x0  }
0x11e: {  	s3 =	rddreg [dreg:$0x2];
	[bflag:$0x3] =	sbarrier.arrive $0xFFFF;
	s2 =	simm.s32 @!p0 $0x1C02  }
0x11f: {  	[timem:s3], [sflag:s2] =	dma.local @!p0 [hbm:s0], s1  }
0x120: {  	s0 =	simm.s32 @!p0 $0x2  }
0x121: {  	_ =	swait.ge @!p0 [sflag:s0], s1  }
0x122: {  	s1 =	ssub.s32 @!p0 $0x0, s1;
	[sflag:s0] =	ssyncset.done @!p0 $0x0  }
0x123: {  	[sflag:s0] =	ssyncadd.s32 @!p0 s1  }
0x124: {  	[bflag:$0x3] =	sbarrier.arrive $0xFFFF  }
0x125: {  	_ =	shalt  }

</sc_bundles>
